<compile_context>
chip_gen: v7x
topology: tpu7x:2x2x1
jax: 0.10.2.dev20260603
libtpu: 0.0.44.dev20260713+nightly
codegen_flags: <defaults>
</compile_context>

<pallas_src>
import functools

import jax
import jax.numpy as jnp
import numpy as np
from jax import lax
from jax.experimental import pallas as pl
from jax.experimental.pallas import tpu as pltpu
from jax.experimental.pallas import tpu_sc as plsc

IN_C = 16
OUT_C = 16
HID = 64
S = 12
N_DOM = 32
REF_RES = 256
N_CELLS = 128 * 128
ROWS = N_CELLS * S
ROW_W = 4 * IN_C

_NC = 2
_NS = 16
_NW = _NC * _NS
_CH = 128
_PER_W = ROWS // _NW
_NCHUNK = _PER_W // _CH

CELL_TILE = 512
GRID = N_CELLS // CELL_TILE
RPT = CELL_TILE * S


def _tf2x32(k1, k2, x1, x2):
    ks2 = k1 ^ k2 ^ np.uint32(0x1BD11BDA)

    def rnd(v0, v1, r):
        v0 = v0 + v1
        v1 = (v1 << np.uint32(r)) | (v1 >> np.uint32(32 - r))
        return v0, v0 ^ v1

    v0 = x1 + k1
    v1 = x2 + k2
    for r in (13, 15, 26, 6):
        v0, v1 = rnd(v0, v1, r)
    v0 = v0 + k2
    v1 = v1 + ks2 + np.uint32(1)
    for r in (17, 29, 16, 24):
        v0, v1 = rnd(v0, v1, r)
    v0 = v0 + ks2
    v1 = v1 + k1 + np.uint32(2)
    for r in (13, 15, 26, 6):
        v0, v1 = rnd(v0, v1, r)
    v0 = v0 + k1
    v1 = v1 + k2 + np.uint32(3)
    for r in (17, 29, 16, 24):
        v0, v1 = rnd(v0, v1, r)
    v0 = v0 + k2
    v1 = v1 + ks2 + np.uint32(4)
    for r in (13, 15, 26, 6):
        v0, v1 = rnd(v0, v1, r)
    v0 = v0 + ks2
    v1 = v1 + k1 + np.uint32(5)
    return v0, v1


def _host_chain():
    with np.errstate(over="ignore"):
        k1, k2 = np.uint32(0), np.uint32(42)
        zero, one = np.uint32(0), np.uint32(1)
        lows = []
        for _ in range(N_DOM):
            n1, n2 = _tf2x32(k1, k2, zero, zero)
            s1, s2 = _tf2x32(k1, k2, zero, one)
            lows.append(_tf2x32(s1, s2, zero, one))
            k1, k2 = n1, n2
        return np.asarray(lows, dtype=np.uint32)


_LOW_DATA = _host_chain()


_NBUF = 4


def _sc_gather_body(tab_hbm, idx_hbm, out_hbm, idx_v, rows, gsem, wsem):
    wid = lax.axis_index("s") * _NC + lax.axis_index("c")
    base = wid * _PER_W
    pltpu.sync_copy(idx_hbm.at[pl.ds(wid * _NCHUNK, _NCHUNK)], idx_v)

    def gather(k, b):
        pltpu.async_copy(tab_hbm.at[idx_v.at[k]], rows[b], gsem[b])

    def gather_wait(b):
        pltpu.make_async_copy(tab_hbm.at[pl.ds(0, _CH)], rows[b], gsem[b]).wait()

    for b in range(_NBUF):
        gather(b, b)

    def step(ko, carry):
        for b in range(_NBUF):
            k = ko * _NBUF + b
            gather_wait(b)
            wout = pltpu.async_copy(rows[b], out_hbm.at[pl.ds(base + k * _CH, _CH)],
                                    wsem[b])

            @pl.when(k + _NBUF < _NCHUNK)
            def _():
                wout.wait()
                gather(k + _NBUF, b)
        return carry

    lax.fori_loop(0, _NCHUNK // _NBUF, step, 0)
    for b in range(_NBUF):
        pltpu.make_async_copy(
            rows[b], out_hbm.at[pl.ds(base, _CH)], wsem[b]).wait()


def _sc_gather(tab, idx):
    mesh = plsc.VectorSubcoreMesh(core_axis_name="c", subcore_axis_name="s")
    k = pl.kernel(
        _sc_gather_body,
        out_type=jax.ShapeDtypeStruct((ROWS, ROW_W), jnp.float32),
        mesh=mesh,
        scratch_types=[
            pltpu.VMEM((_NCHUNK, _CH), jnp.int32),
            [pltpu.VMEM((_CH, ROW_W), jnp.float32) for _ in range(_NBUF)],
            [pltpu.SemaphoreType.DMA for _ in range(_NBUF)],
            [pltpu.SemaphoreType.DMA for _ in range(_NBUF)],
        ],
        compiler_params=pltpu.CompilerParams(use_tc_tiling_on_sc=False),
    )
    return k(tab, idx)


_GC1 = 0.7978845608028654
_GC2 = _GC1 * 0.044715


def _gelu(x):
    x = x.astype(jnp.bfloat16)
    hx = jnp.bfloat16(0.5) * x
    t = jnp.tanh(x * (jnp.bfloat16(_GC1) + jnp.bfloat16(_GC2) * (x * x)))
    return hx + hx * t


def _mlp_body(g_ref, rc_ref, cpm_ref, w1s_ref, wr_ref, w2_ref, b2_ref,
              w3_ref, b3_ref, out_ref):
    gm = g_ref[...].reshape(RPT, ROW_W)
    rc = rc_ref[...]
    cpm = cpm_ref[...]
    c1pc = cpm[:, 0:HID]
    m = cpm[:, HID:HID + 1]
    wr = wr_ref[...]
    c1 = jnp.concatenate(
        [rc[:, s:s + 1] * wr + c1pc for s in range(S)], axis=0)
    w2 = w2_ref[...]
    b2 = b2_ref[...]
    w3 = w3_ref[...]
    b3 = b3_ref[...]
    w2b = w2.astype(jnp.bfloat16)
    for b in range(4):
        h = _gelu(jnp.dot(gm, w1s_ref[b], preferred_element_type=jnp.float32) + c1)
        h = _gelu(jnp.dot(h, w2b, preferred_element_type=jnp.float32) + b2)
        hs = h.astype(jnp.float32).reshape(S, CELL_TILE, HID).sum(axis=0)
        u = (jnp.dot(hs, w3, preferred_element_type=jnp.float32) * (1.0 / S) + b3) * m
        out_ref[b, :, :] = u.T


_TC_IN_SPECS = [
    pl.BlockSpec((S, CELL_TILE, ROW_W), lambda i: (0, i, 0)),
    pl.BlockSpec((CELL_TILE, S), lambda i: (i, 0)),
    pl.BlockSpec((CELL_TILE, 128), lambda i: (i, 0)),
    pl.BlockSpec((4, ROW_W, HID), lambda i: (0, 0, 0)),
    pl.BlockSpec((1, HID), lambda i: (0, 0)),
    pl.BlockSpec((HID, HID), lambda i: (0, 0)),
    pl.BlockSpec((1, HID), lambda i: (0, 0)),
    pl.BlockSpec((HID, OUT_C), lambda i: (0, 0)),
    pl.BlockSpec((1, OUT_C), lambda i: (0, 0)),
]
_TC_OUT_SPEC = pl.BlockSpec((4, OUT_C, CELL_TILE), lambda i: (0, 0, i))


def _tc_mlp(G3, rc_cs, cpm, w1s, wr, w2t, b2, w3t, b3):
    return pl.pallas_call(
        _mlp_body,
        grid=(GRID,),
        in_specs=_TC_IN_SPECS,
        out_specs=_TC_OUT_SPEC,
        out_shape=jax.ShapeDtypeStruct((4, OUT_C, N_CELLS), jnp.float32),
    )(G3, rc_cs, cpm, w1s, wr, w2t, b2, w3t, b3)


def _prep(reference_t, physical_coords, subdomain_lookup):
    lookup_flat = subdomain_lookup.reshape(-1).astype(jnp.int32)
    s = jnp.max(lookup_flat)

    onehot = lookup_flat[:, None] == jnp.arange(N_DOM)[None, :]
    oh_i = onehot.astype(jnp.int16)
    cum = jnp.cumsum(oh_i, axis=0)
    rank = ((cum - 1) * oh_i).sum(axis=1).astype(jnp.int32)
    counts = cum[-1].astype(jnp.int32)
    stepped = (jnp.arange(N_DOM) < s) & (counts > 0)
    adv = jnp.concatenate(
        [jnp.zeros((1,), jnp.int32), jnp.cumsum(stepped.astype(jnp.int32))[:-1]])

    lk = jnp.asarray(_LOW_DATA)[adv]
    oh_u = onehot.astype(jnp.uint32)
    k1 = (oh_u * lk[:, 0][None, :]).sum(axis=1)[None, :]
    k2 = (oh_u * lk[:, 1][None, :]).sum(axis=1)[None, :]
    p = (rank.astype(jnp.uint32) * np.uint32(S))[None, :] \
        + jnp.arange(S, dtype=jnp.uint32)[:, None]
    c1, c2 = _tf2x32(k1, k2, jnp.zeros_like(p), p)
    samp_t = ((c1 ^ c2) & np.uint32(REF_RES - 1)).astype(jnp.int32)
    gidx = (lookup_flat[None, :] * REF_RES + samp_t).astype(jnp.int32).reshape(-1)

    refc_cs = (-1.0 + samp_t.astype(jnp.float32) * (2.0 / (REF_RES - 1))).T
    tab = jnp.transpose(reference_t, (1, 3, 0, 2)).reshape(N_DOM * REF_RES, ROW_W)
    return tab, gidx, refc_cs


def _coord_bias(physical_coords, lookup_flat, s, W1, b1):
    pcf = physical_coords.reshape(2, -1)
    c1pc = (pcf[0][:, None] * W1[:, 1][None, :]
            + pcf[1][:, None] * W1[:, 2][None, :] + b1[None, :])
    maskf = (lookup_flat < s).astype(jnp.float32)
    return jnp.concatenate(
        [c1pc, maskf[:, None],
         jnp.zeros((N_CELLS, 128 - HID - 1), jnp.float32)], axis=1)


def _weights(W1, b1, W2, b2, W3, b3):
    w1r = W1[:, 3:].T
    w1s = jnp.zeros((4, ROW_W, HID), jnp.float32)
    for b in range(4):
        w1s = w1s.at[b, b * IN_C:(b + 1) * IN_C].set(w1r)
    return (w1s, W1[:, 0][None, :], W2.T, b2[None, :], W3.T, b3[None, :])


def kernel(reference, physical_coords, subdomain_lookup, W1, b1, W2, b2, W3, b3):
    tab, gidx, refc_cs = _prep(reference, physical_coords, subdomain_lookup)
    lookup_flat = subdomain_lookup.reshape(-1).astype(jnp.int32)
    cpm = _coord_bias(physical_coords, lookup_flat, jnp.max(lookup_flat), W1, b1)
    G = _sc_gather(tab, gidx.reshape(ROWS // _CH, _CH))
    G3 = G.reshape(S, N_CELLS, ROW_W)
    out = _tc_mlp(G3, refc_cs, cpm, *_weights(W1, b1, W2, b2, W3, b3))
    y_res = physical_coords.shape[1]
    x_res = physical_coords.shape[2]
    return out.reshape(4, OUT_C, y_res, x_res)

# --- scband reference (transcript-rebuilt; emitter-appended) ---
"""Pipeline reference for scband-from-reference-86766929314314 (READ-ONLY COPY).

The authoritative reference and input builder live on the scoring server;
editing this copy changes nothing except your own understanding.
"""

import jax, jax.numpy as jnp
import numpy as np

IN_CHANNELS = 16
OUT_CHANNELS = 16
HIDDEN = 64
SAMPLE_SIZE = 12


def _mlp(x, W1, b1, W2, b2, W3, b3):
    # 3-layer pointwise MLP (1x1 conv equivalent) with GELU, matching neuraloperator-style MLP
    x = jnp.einsum('oc,bcnm->bonm', W1, x) + b1[None, :, None, None]
    x = jax.nn.gelu(x)
    x = jnp.einsum('oc,bcnm->bonm', W2, x) + b2[None, :, None, None]
    x = jax.nn.gelu(x)
    x = jnp.einsum('oc,bcnm->bonm', W3, x) + b3[None, :, None, None]
    return x


def setup_inputs(seed: int = 0):
    key = jax.random.key(seed)
    ks = jax.random.split(key, 8)
    reference_t = jax.random.normal(ks[0], (4, 32, IN_CHANNELS, 256), dtype=jnp.float32)
    physical_coords = jax.random.uniform(ks[1], (2, 128, 128), dtype=jnp.float32)
    subdomain_lookup = jax.random.randint(ks[2], (128, 128), 0, 32)
    cin = 1 + 2 + IN_CHANNELS
    W1 = jax.random.normal(ks[3], (HIDDEN, cin), dtype=jnp.float32) / np.sqrt(cin)
    b1 = jnp.zeros((HIDDEN,), dtype=jnp.float32)
    W2 = jax.random.normal(ks[4], (HIDDEN, HIDDEN), dtype=jnp.float32) / np.sqrt(HIDDEN)
    b2 = jnp.zeros((HIDDEN,), dtype=jnp.float32)
    W3 = jax.random.normal(ks[5], (OUT_CHANNELS, HIDDEN), dtype=jnp.float32) / np.sqrt(HIDDEN)
    b3 = jnp.zeros((OUT_CHANNELS,), dtype=jnp.float32)
    return {"reference": reference_t, "physical_coords": physical_coords, "subdomain_lookup": subdomain_lookup,
            "W1": W1, "b1": b1, "W2": W2, "b2": b2, "W3": W3, "b3": b3}


def reference(reference, physical_coords, subdomain_lookup, W1, b1, W2, b2, W3, b3):
    batch = reference.shape[0]
    y_res = physical_coords.shape[1]
    x_res = physical_coords.shape[2]
    ref_res = reference.shape[3]
    n_dom = reference.shape[1]
    n_cells = y_res * x_res
    ref_coords = jnp.linspace(-1.0, 1.0, ref_res)
    lookup_flat = subdomain_lookup.reshape(-1)
    # faithful to torch: loops range(s), cells labeled s stay unwritten (zeros here)
    s = jnp.max(lookup_flat)
    counts = jnp.bincount(lookup_flat, length=n_dom)
    pc = physical_coords.reshape(2, -1)
    rkey = jax.random.key(42)
    tables = []
    for idx in range(n_dom):
        nxt, sub = jax.random.split(rkey)
        tables.append(jax.random.randint(sub, (n_cells, SAMPLE_SIZE), 0, ref_res))
        stepped = (idx < s) & (counts[idx] > 0)
        rkey = jax.random.wrap_key_data(
            jnp.where(stepped, jax.random.key_data(nxt), jax.random.key_data(rkey)))
    tables = jnp.stack(tables)  # [n_dom, n_cells, S]
    onehot = (lookup_flat[:, None] == jnp.arange(n_dom)[None, :]).astype(jnp.int32)
    rank = jnp.take_along_axis(jnp.cumsum(onehot, axis=0) - 1, lookup_flat[:, None], axis=1)[:, 0]
    sample_indices = tables[lookup_flat, rank]  # [n_cells, S]
    ref_sample = reference[:, lookup_flat[:, None], :, sample_indices]  # [n_cells, S, B, C]
    ref_sample = jnp.transpose(ref_sample, (2, 3, 0, 1))  # [B, C, n_cells, S]
    ref_coords_sample = ref_coords[sample_indices]  # [n_cells, S]
    coords = jnp.concatenate((ref_coords_sample[None],
                              jnp.broadcast_to(pc[:, :, None], (2, n_cells, SAMPLE_SIZE))), axis=0)
    inp = jnp.concatenate((jnp.broadcast_to(coords[None], (batch, 3, n_cells, SAMPLE_SIZE)), ref_sample), axis=1)
    u_all = _mlp(inp, W1, b1, W2, b2, W3, b3).sum(3) / SAMPLE_SIZE  # [B, O, n_cells]
    u_flat = jnp.where((lookup_flat < s)[None, None, :], u_all, jnp.zeros((), jnp.float32))
    return u_flat.reshape(batch, OUT_CHANNELS, y_res, x_res)

if __name__ == "__main__":
    import jax
    _d = setup_inputs()
    print(jax.jit(kernel)(*tuple(_d.values())))

</pallas_src>

<mosaic_0001>
#map = affine_map<(d0, d1) -> (0, 0)>
module attributes {stable_mosaic.version = 14 : i64} {
  func.func @_sc_gather_body(%arg0: i32, %arg1: i32, %arg2: memref<8192x64xf32, #tpu.memory_space<hbm>>, %arg3: memref<1536x128xi32, #tpu.memory_space<hbm>>, %arg4: memref<196608x64xf32, #tpu.memory_space<hbm>>, %arg5: memref<48x128xi32, #tpu.memory_space<vmem>>, %arg6: memref<128x64xf32, #tpu.memory_space<vmem>>, %arg7: memref<128x64xf32, #tpu.memory_space<vmem>>, %arg8: memref<128x64xf32, #tpu.memory_space<vmem>>, %arg9: memref<128x64xf32, #tpu.memory_space<vmem>>, %arg10: memref<!tpu.dma_semaphore, #tpu.memory_space<semaphore_mem>>, %arg11: memref<!tpu.dma_semaphore, #tpu.memory_space<semaphore_mem>>, %arg12: memref<!tpu.dma_semaphore, #tpu.memory_space<semaphore_mem>>, %arg13: memref<!tpu.dma_semaphore, #tpu.memory_space<semaphore_mem>>, %arg14: memref<!tpu.dma_semaphore, #tpu.memory_space<semaphore_mem>>, %arg15: memref<!tpu.dma_semaphore, #tpu.memory_space<semaphore_mem>>, %arg16: memref<!tpu.dma_semaphore, #tpu.memory_space<semaphore_mem>>, %arg17: memref<!tpu.dma_semaphore, #tpu.memory_space<semaphore_mem>>) attributes {dimension_semantics = [#tpu.dimension_semantics<core_parallel>, #tpu.dimension_semantics<subcore_parallel>], iteration_bounds = array<i64: 2, 16>, scalar_prefetch = 0 : i64, scratch_operands = 13 : i64, tpu.core_type = #tpu.core_type<sc_vector_subcore>, window_params = [{transform_indices = #map}, {transform_indices = #map}, {transform_indices = #map}]} {
    %mul3A = arith.constant 2 : i32
    %mul3A_0 = arith.muli %arg1, %mul3A : i32
    %add3A = arith.addi %mul3A_0, %arg0 : i32
    %mul3A_1 = arith.constant 6144 : i32
    %mul3A_2 = arith.muli %add3A, %mul3A_1 : i32
    %mul3A_3 = arith.constant 48 : i32
    %mul3A_4 = arith.muli %add3A, %mul3A_3 : i32
    "tpu.region"() ({
      %run_scoped3A = tpu.sem_alloc : memref<!tpu.dma_semaphore, #tpu.memory_space<semaphore_mem>>
      %dma_start3A_52 = arith.constant 0 : i32
      %dma_start3A_53 = tpu.memref_slice %arg3[%mul3A_4, %dma_start3A_52] : memref<1536x128xi32, #tpu.memory_space<hbm>> -> memref<48x128xi32, #tpu.memory_space<hbm>>
      %dma_start3A_54 = arith.constant 0 : i32
      %dma_start3A_55 = tpu.memref_slice %arg3[%mul3A_4, %dma_start3A_54] : memref<1536x128xi32, #tpu.memory_space<hbm>> -> memref<48x128xi32, #tpu.memory_space<hbm>>
      tpu.enqueue_dma source(%dma_start3A_55 : memref<48x128xi32, #tpu.memory_space<hbm>>) target(%arg5 : memref<48x128xi32, #tpu.memory_space<vmem>>) target_semaphore(%run_scoped3A : memref<!tpu.dma_semaphore, #tpu.memory_space<semaphore_mem>>)
      %dma_wait3A_56 = arith.constant 0 : i32
      %dma_wait3A_57 = tpu.memref_slice %arg3[%mul3A_4, %dma_wait3A_56] : memref<1536x128xi32, #tpu.memory_space<hbm>> -> memref<48x128xi32, #tpu.memory_space<hbm>>
      %dma_wait3A_58 = arith.constant 0 : i32
      %dma_wait3A_59 = tpu.memref_slice %arg3[%mul3A_4, %dma_wait3A_58] : memref<1536x128xi32, #tpu.memory_space<hbm>> -> memref<48x128xi32, #tpu.memory_space<hbm>>
      tpu.wait_dma2 semaphore(%run_scoped3A : memref<!tpu.dma_semaphore, #tpu.memory_space<semaphore_mem>>) src(%dma_wait3A_59 : memref<48x128xi32, #tpu.memory_space<hbm>>) dst(%arg5 : memref<48x128xi32, #tpu.memory_space<vmem>>)
      tpu.yield
    }) : () -> ()
    %dma_start3A = arith.constant 0 : i32
    %dma_start3A_5 = arith.constant 0 : i32
    %dma_start3A_6 = tpu.memref_slice %arg5[%dma_start3A, %dma_start3A_5] : memref<48x128xi32, #tpu.memory_space<vmem>> -> memref<1x128xi32, #tpu.memory_space<vmem>>
    %dma_start3A_7 = tpu.memref_squeeze %dma_start3A_6 : memref<1x128xi32, #tpu.memory_space<vmem>> -> memref<128xi32, #tpu.memory_space<vmem>>
    %dma_start3A_8 = arith.constant 0 : i32
    %dma_start3A_9 = arith.constant 0 : i32
    %dma_start3A_10 = tpu.memref_slice %arg2[%dma_start3A_8, %dma_start3A_9] : memref<8192x64xf32, #tpu.memory_space<hbm>> -> memref<8192x64xf32, #tpu.memory_space<hbm>>
    tpu.enqueue_indirect_dma source(%dma_start3A_10 : memref<8192x64xf32, #tpu.memory_space<hbm>>) target(%arg6 : memref<128x64xf32, #tpu.memory_space<vmem>>) offsets(%dma_start3A_7 : memref<128xi32, #tpu.memory_space<vmem>>) semaphore(%arg10 : memref<!tpu.dma_semaphore, #tpu.memory_space<semaphore_mem>>)
    %dma_start3A_11 = arith.constant 1 : i32
    %dma_start3A_12 = arith.constant 0 : i32
    %dma_start3A_13 = tpu.memref_slice %arg5[%dma_start3A_11, %dma_start3A_12] : memref<48x128xi32, #tpu.memory_space<vmem>> -> memref<1x128xi32, #tpu.memory_space<vmem>>
    %dma_start3A_14 = tpu.memref_squeeze %dma_start3A_13 : memref<1x128xi32, #tpu.memory_space<vmem>> -> memref<128xi32, #tpu.memory_space<vmem>>
    %dma_start3A_15 = arith.constant 0 : i32
    %dma_start3A_16 = arith.constant 0 : i32
    %dma_start3A_17 = tpu.memref_slice %arg2[%dma_start3A_15, %dma_start3A_16] : memref<8192x64xf32, #tpu.memory_space<hbm>> -> memref<8192x64xf32, #tpu.memory_space<hbm>>
    tpu.enqueue_indirect_dma source(%dma_start3A_17 : memref<8192x64xf32, #tpu.memory_space<hbm>>) target(%arg7 : memref<128x64xf32, #tpu.memory_space<vmem>>) offsets(%dma_start3A_14 : memref<128xi32, #tpu.memory_space<vmem>>) semaphore(%arg11 : memref<!tpu.dma_semaphore, #tpu.memory_space<semaphore_mem>>)
    %dma_start3A_18 = arith.constant 2 : i32
    %dma_start3A_19 = arith.constant 0 : i32
    %dma_start3A_20 = tpu.memref_slice %arg5[%dma_start3A_18, %dma_start3A_19] : memref<48x128xi32, #tpu.memory_space<vmem>> -> memref<1x128xi32, #tpu.memory_space<vmem>>
    %dma_start3A_21 = tpu.memref_squeeze %dma_start3A_20 : memref<1x128xi32, #tpu.memory_space<vmem>> -> memref<128xi32, #tpu.memory_space<vmem>>
    %dma_start3A_22 = arith.constant 0 : i32
    %dma_start3A_23 = arith.constant 0 : i32
    %dma_start3A_24 = tpu.memref_slice %arg2[%dma_start3A_22, %dma_start3A_23] : memref<8192x64xf32, #tpu.memory_space<hbm>> -> memref<8192x64xf32, #tpu.memory_space<hbm>>
    tpu.enqueue_indirect_dma source(%dma_start3A_24 : memref<8192x64xf32, #tpu.memory_space<hbm>>) target(%arg8 : memref<128x64xf32, #tpu.memory_space<vmem>>) offsets(%dma_start3A_21 : memref<128xi32, #tpu.memory_space<vmem>>) semaphore(%arg12 : memref<!tpu.dma_semaphore, #tpu.memory_space<semaphore_mem>>)
    %dma_start3A_25 = arith.constant 3 : i32
    %dma_start3A_26 = arith.constant 0 : i32
    %dma_start3A_27 = tpu.memref_slice %arg5[%dma_start3A_25, %dma_start3A_26] : memref<48x128xi32, #tpu.memory_space<vmem>> -> memref<1x128xi32, #tpu.memory_space<vmem>>
    %dma_start3A_28 = tpu.memref_squeeze %dma_start3A_27 : memref<1x128xi32, #tpu.memory_space<vmem>> -> memref<128xi32, #tpu.memory_space<vmem>>
    %dma_start3A_29 = arith.constant 0 : i32
    %dma_start3A_30 = arith.constant 0 : i32
    %dma_start3A_31 = tpu.memref_slice %arg2[%dma_start3A_29, %dma_start3A_30] : memref<8192x64xf32, #tpu.memory_space<hbm>> -> memref<8192x64xf32, #tpu.memory_space<hbm>>
    tpu.enqueue_indirect_dma source(%dma_start3A_31 : memref<8192x64xf32, #tpu.memory_space<hbm>>) target(%arg9 : memref<128x64xf32, #tpu.memory_space<vmem>>) offsets(%dma_start3A_28 : memref<128xi32, #tpu.memory_space<vmem>>) semaphore(%arg13 : memref<!tpu.dma_semaphore, #tpu.memory_space<semaphore_mem>>)
    %scan3A = arith.constant 0 : i32
    %scan3A_32 = arith.constant 0 : i32
    %scan3A_33 = arith.constant 12 : i32
    %scan3A_34 = arith.addi %scan3A_32, %scan3A_33 : i32
    %scan3A_35 = arith.constant 1 : i32
    scf.for %scan3A_52 = %scan3A_32 to %scan3A_34 step %scan3A_35  : i32 {
      %mul3A_53 = arith.constant 4 : i32
      %mul3A_54 = arith.muli %scan3A_52, %mul3A_53 : i32
      %add3A_55 = arith.constant 0 : i32
      %add3A_56 = arith.addi %mul3A_54, %add3A_55 : i32
      %dma_wait3A_57 = arith.constant 0 : i32
      %dma_wait3A_58 = arith.constant 0 : i32
      %dma_wait3A_59 = tpu.memref_slice %arg2[%dma_wait3A_57, %dma_wait3A_58] : memref<8192x64xf32, #tpu.memory_space<hbm>> -> memref<128x64xf32, #tpu.memory_space<hbm>>
      %dma_wait3A_60 = arith.constant 0 : i32
      %dma_wait3A_61 = arith.constant 0 : i32
      %dma_wait3A_62 = tpu.memref_slice %arg2[%dma_wait3A_60, %dma_wait3A_61] : memref<8192x64xf32, #tpu.memory_space<hbm>> -> memref<128x64xf32, #tpu.memory_space<hbm>>
      tpu.wait_dma2 semaphore(%arg10 : memref<!tpu.dma_semaphore, #tpu.memory_space<semaphore_mem>>) src(%dma_wait3A_62 : memref<128x64xf32, #tpu.memory_space<hbm>>) dst(%arg6 : memref<128x64xf32, #tpu.memory_space<vmem>>)
      %mul3A_63 = arith.constant 128 : i32
      %mul3A_64 = arith.muli %add3A_56, %mul3A_63 : i32
      %add3A_65 = arith.addi %mul3A_2, %mul3A_64 : i32
      %dma_start3A_66 = arith.constant 0 : i32
      %dma_start3A_67 = tpu.memref_slice %arg4[%add3A_65, %dma_start3A_66] : memref<196608x64xf32, #tpu.memory_space<hbm>> -> memref<128x64xf32, #tpu.memory_space<hbm>>
      %dma_start3A_68 = arith.constant 0 : i32
      %dma_start3A_69 = tpu.memref_slice %arg4[%add3A_65, %dma_start3A_68] : memref<196608x64xf32, #tpu.memory_space<hbm>> -> memref<128x64xf32, #tpu.memory_space<hbm>>
      tpu.enqueue_dma source(%arg6 : memref<128x64xf32, #tpu.memory_space<vmem>>) target(%dma_start3A_69 : memref<128x64xf32, #tpu.memory_space<hbm>>) target_semaphore(%arg14 : memref<!tpu.dma_semaphore, #tpu.memory_space<semaphore_mem>>)
      %add3A_70 = arith.constant 4 : i32
      %add3A_71 = arith.addi %add3A_56, %add3A_70 : i32
      %lt3A = arith.constant 48 : i32
      %lt3A_72 = arith.cmpi slt, %add3A_71, %lt3A : i32
      %convert_element_type3A = arith.extui %lt3A_72 : i1 to i32
      %cond3A = arith.constant 0 : i32
      %cond3A_73 = arith.cmpi ne, %convert_element_type3A, %cond3A : i32
      scf.if %cond3A_73 {
        %dma_wait3A_146 = arith.constant 0 : i32
        %dma_wait3A_147 = tpu.memref_slice %arg4[%add3A_65, %dma_wait3A_146] : memref<196608x64xf32, #tpu.memory_space<hbm>> -> memref<128x64xf32, #tpu.memory_space<hbm>>
        %dma_wait3A_148 = arith.constant 0 : i32
        %dma_wait3A_149 = tpu.memref_slice %arg4[%add3A_65, %dma_wait3A_148] : memref<196608x64xf32, #tpu.memory_space<hbm>> -> memref<128x64xf32, #tpu.memory_space<hbm>>
        tpu.wait_dma2 semaphore(%arg14 : memref<!tpu.dma_semaphore, #tpu.memory_space<semaphore_mem>>) src(%arg6 : memref<128x64xf32, #tpu.memory_space<vmem>>) dst(%dma_wait3A_149 : memref<128x64xf32, #tpu.memory_space<hbm>>)
        %add3A_150 = arith.constant 4 : i32
        %add3A_151 = arith.addi %add3A_56, %add3A_150 : i32
        %dma_start3A_152 = arith.constant 0 : i32
        %dma_start3A_153 = tpu.memref_slice %arg5[%add3A_151, %dma_start3A_152] : memref<48x128xi32, #tpu.memory_space<vmem>> -> memref<1x128xi32, #tpu.memory_space<vmem>>
        %dma_start3A_154 = tpu.memref_squeeze %dma_start3A_153 : memref<1x128xi32, #tpu.memory_space<vmem>> -> memref<128xi32, #tpu.memory_space<vmem>>
        %dma_start3A_155 = arith.constant 0 : i32
        %dma_start3A_156 = arith.constant 0 : i32
        %dma_start3A_157 = tpu.memref_slice %arg2[%dma_start3A_155, %dma_start3A_156] : memref<8192x64xf32, #tpu.memory_space<hbm>> -> memref<8192x64xf32, #tpu.memory_space<hbm>>
        tpu.enqueue_indirect_dma source(%dma_start3A_157 : memref<8192x64xf32, #tpu.memory_space<hbm>>) target(%arg6 : memref<128x64xf32, #tpu.memory_space<vmem>>) offsets(%dma_start3A_154 : memref<128xi32, #tpu.memory_space<vmem>>) semaphore(%arg10 : memref<!tpu.dma_semaphore, #tpu.memory_space<semaphore_mem>>)
      } else {
      }
      %mul3A_74 = arith.constant 4 : i32
      %mul3A_75 = arith.muli %scan3A_52, %mul3A_74 : i32
      %add3A_76 = arith.constant 1 : i32
      %add3A_77 = arith.addi %mul3A_75, %add3A_76 : i32
      %dma_wait3A_78 = arith.constant 0 : i32
      %dma_wait3A_79 = arith.constant 0 : i32
      %dma_wait3A_80 = tpu.memref_slice %arg2[%dma_wait3A_78, %dma_wait3A_79] : memref<8192x64xf32, #tpu.memory_space<hbm>> -> memref<128x64xf32, #tpu.memory_space<hbm>>
      %dma_wait3A_81 = arith.constant 0 : i32
      %dma_wait3A_82 = arith.constant 0 : i32
      %dma_wait3A_83 = tpu.memref_slice %arg2[%dma_wait3A_81, %dma_wait3A_82] : memref<8192x64xf32, #tpu.memory_space<hbm>> -> memref<128x64xf32, #tpu.memory_space<hbm>>
      tpu.wait_dma2 semaphore(%arg11 : memref<!tpu.dma_semaphore, #tpu.memory_space<semaphore_mem>>) src(%dma_wait3A_83 : memref<128x64xf32, #tpu.memory_space<hbm>>) dst(%arg7 : memref<128x64xf32, #tpu.memory_space<vmem>>)
      %mul3A_84 = arith.constant 128 : i32
      %mul3A_85 = arith.muli %add3A_77, %mul3A_84 : i32
      %add3A_86 = arith.addi %mul3A_2, %mul3A_85 : i32
      %dma_start3A_87 = arith.constant 0 : i32
      %dma_start3A_88 = tpu.memref_slice %arg4[%add3A_86, %dma_start3A_87] : memref<196608x64xf32, #tpu.memory_space<hbm>> -> memref<128x64xf32, #tpu.memory_space<hbm>>
      %dma_start3A_89 = arith.constant 0 : i32
      %dma_start3A_90 = tpu.memref_slice %arg4[%add3A_86, %dma_start3A_89] : memref<196608x64xf32, #tpu.memory_space<hbm>> -> memref<128x64xf32, #tpu.memory_space<hbm>>
      tpu.enqueue_dma source(%arg7 : memref<128x64xf32, #tpu.memory_space<vmem>>) target(%dma_start3A_90 : memref<128x64xf32, #tpu.memory_space<hbm>>) target_semaphore(%arg15 : memref<!tpu.dma_semaphore, #tpu.memory_space<semaphore_mem>>)
      %add3A_91 = arith.constant 4 : i32
      %add3A_92 = arith.addi %add3A_77, %add3A_91 : i32
      %lt3A_93 = arith.constant 48 : i32
      %lt3A_94 = arith.cmpi slt, %add3A_92, %lt3A_93 : i32
      %convert_element_type3A_95 = arith.extui %lt3A_94 : i1 to i32
      %cond3A_96 = arith.constant 0 : i32
      %cond3A_97 = arith.cmpi ne, %convert_element_type3A_95, %cond3A_96 : i32
      scf.if %cond3A_97 {
        %dma_wait3A_146 = arith.constant 0 : i32
        %dma_wait3A_147 = tpu.memref_slice %arg4[%add3A_86, %dma_wait3A_146] : memref<196608x64xf32, #tpu.memory_space<hbm>> -> memref<128x64xf32, #tpu.memory_space<hbm>>
        %dma_wait3A_148 = arith.constant 0 : i32
        %dma_wait3A_149 = tpu.memref_slice %arg4[%add3A_86, %dma_wait3A_148] : memref<196608x64xf32, #tpu.memory_space<hbm>> -> memref<128x64xf32, #tpu.memory_space<hbm>>
        tpu.wait_dma2 semaphore(%arg15 : memref<!tpu.dma_semaphore, #tpu.memory_space<semaphore_mem>>) src(%arg7 : memref<128x64xf32, #tpu.memory_space<vmem>>) dst(%dma_wait3A_149 : memref<128x64xf32, #tpu.memory_space<hbm>>)
        %add3A_150 = arith.constant 4 : i32
        %add3A_151 = arith.addi %add3A_77, %add3A_150 : i32
        %dma_start3A_152 = arith.constant 0 : i32
        %dma_start3A_153 = tpu.memref_slice %arg5[%add3A_151, %dma_start3A_152] : memref<48x128xi32, #tpu.memory_space<vmem>> -> memref<1x128xi32, #tpu.memory_space<vmem>>
        %dma_start3A_154 = tpu.memref_squeeze %dma_start3A_153 : memref<1x128xi32, #tpu.memory_space<vmem>> -> memref<128xi32, #tpu.memory_space<vmem>>
        %dma_start3A_155 = arith.constant 0 : i32
        %dma_start3A_156 = arith.constant 0 : i32
        %dma_start3A_157 = tpu.memref_slice %arg2[%dma_start3A_155, %dma_start3A_156] : memref<8192x64xf32, #tpu.memory_space<hbm>> -> memref<8192x64xf32, #tpu.memory_space<hbm>>
        tpu.enqueue_indirect_dma source(%dma_start3A_157 : memref<8192x64xf32, #tpu.memory_space<hbm>>) target(%arg7 : memref<128x64xf32, #tpu.memory_space<vmem>>) offsets(%dma_start3A_154 : memref<128xi32, #tpu.memory_space<vmem>>) semaphore(%arg11 : memref<!tpu.dma_semaphore, #tpu.memory_space<semaphore_mem>>)
      } else {
      }
      %mul3A_98 = arith.constant 4 : i32
      %mul3A_99 = arith.muli %scan3A_52, %mul3A_98 : i32
      %add3A_100 = arith.constant 2 : i32
      %add3A_101 = arith.addi %mul3A_99, %add3A_100 : i32
      %dma_wait3A_102 = arith.constant 0 : i32
      %dma_wait3A_103 = arith.constant 0 : i32
      %dma_wait3A_104 = tpu.memref_slice %arg2[%dma_wait3A_102, %dma_wait3A_103] : memref<8192x64xf32, #tpu.memory_space<hbm>> -> memref<128x64xf32, #tpu.memory_space<hbm>>
      %dma_wait3A_105 = arith.constant 0 : i32
      %dma_wait3A_106 = arith.constant 0 : i32
      %dma_wait3A_107 = tpu.memref_slice %arg2[%dma_wait3A_105, %dma_wait3A_106] : memref<8192x64xf32, #tpu.memory_space<hbm>> -> memref<128x64xf32, #tpu.memory_space<hbm>>
      tpu.wait_dma2 semaphore(%arg12 : memref<!tpu.dma_semaphore, #tpu.memory_space<semaphore_mem>>) src(%dma_wait3A_107 : memref<128x64xf32, #tpu.memory_space<hbm>>) dst(%arg8 : memref<128x64xf32, #tpu.memory_space<vmem>>)
      %mul3A_108 = arith.constant 128 : i32
      %mul3A_109 = arith.muli %add3A_101, %mul3A_108 : i32
      %add3A_110 = arith.addi %mul3A_2, %mul3A_109 : i32
      %dma_start3A_111 = arith.constant 0 : i32
      %dma_start3A_112 = tpu.memref_slice %arg4[%add3A_110, %dma_start3A_111] : memref<196608x64xf32, #tpu.memory_space<hbm>> -> memref<128x64xf32, #tpu.memory_space<hbm>>
      %dma_start3A_113 = arith.constant 0 : i32
      %dma_start3A_114 = tpu.memref_slice %arg4[%add3A_110, %dma_start3A_113] : memref<196608x64xf32, #tpu.memory_space<hbm>> -> memref<128x64xf32, #tpu.memory_space<hbm>>
      tpu.enqueue_dma source(%arg8 : memref<128x64xf32, #tpu.memory_space<vmem>>) target(%dma_start3A_114 : memref<128x64xf32, #tpu.memory_space<hbm>>) target_semaphore(%arg16 : memref<!tpu.dma_semaphore, #tpu.memory_space<semaphore_mem>>)
      %add3A_115 = arith.constant 4 : i32
      %add3A_116 = arith.addi %add3A_101, %add3A_115 : i32
      %lt3A_117 = arith.constant 48 : i32
      %lt3A_118 = arith.cmpi slt, %add3A_116, %lt3A_117 : i32
      %convert_element_type3A_119 = arith.extui %lt3A_118 : i1 to i32
      %cond3A_120 = arith.constant 0 : i32
      %cond3A_121 = arith.cmpi ne, %convert_element_type3A_119, %cond3A_120 : i32
      scf.if %cond3A_121 {
        %dma_wait3A_146 = arith.constant 0 : i32
        %dma_wait3A_147 = tpu.memref_slice %arg4[%add3A_110, %dma_wait3A_146] : memref<196608x64xf32, #tpu.memory_space<hbm>> -> memref<128x64xf32, #tpu.memory_space<hbm>>
        %dma_wait3A_148 = arith.constant 0 : i32
        %dma_wait3A_149 = tpu.memref_slice %arg4[%add3A_110, %dma_wait3A_148] : memref<196608x64xf32, #tpu.memory_space<hbm>> -> memref<128x64xf32, #tpu.memory_space<hbm>>
        tpu.wait_dma2 semaphore(%arg16 : memref<!tpu.dma_semaphore, #tpu.memory_space<semaphore_mem>>) src(%arg8 : memref<128x64xf32, #tpu.memory_space<vmem>>) dst(%dma_wait3A_149 : memref<128x64xf32, #tpu.memory_space<hbm>>)
        %add3A_150 = arith.constant 4 : i32
        %add3A_151 = arith.addi %add3A_101, %add3A_150 : i32
        %dma_start3A_152 = arith.constant 0 : i32
        %dma_start3A_153 = tpu.memref_slice %arg5[%add3A_151, %dma_start3A_152] : memref<48x128xi32, #tpu.memory_space<vmem>> -> memref<1x128xi32, #tpu.memory_space<vmem>>
        %dma_start3A_154 = tpu.memref_squeeze %dma_start3A_153 : memref<1x128xi32, #tpu.memory_space<vmem>> -> memref<128xi32, #tpu.memory_space<vmem>>
        %dma_start3A_155 = arith.constant 0 : i32
        %dma_start3A_156 = arith.constant 0 : i32
        %dma_start3A_157 = tpu.memref_slice %arg2[%dma_start3A_155, %dma_start3A_156] : memref<8192x64xf32, #tpu.memory_space<hbm>> -> memref<8192x64xf32, #tpu.memory_space<hbm>>
        tpu.enqueue_indirect_dma source(%dma_start3A_157 : memref<8192x64xf32, #tpu.memory_space<hbm>>) target(%arg8 : memref<128x64xf32, #tpu.memory_space<vmem>>) offsets(%dma_start3A_154 : memref<128xi32, #tpu.memory_space<vmem>>) semaphore(%arg12 : memref<!tpu.dma_semaphore, #tpu.memory_space<semaphore_mem>>)
      } else {
      }
      %mul3A_122 = arith.constant 4 : i32
      %mul3A_123 = arith.muli %scan3A_52, %mul3A_122 : i32
      %add3A_124 = arith.constant 3 : i32
      %add3A_125 = arith.addi %mul3A_123, %add3A_124 : i32
      %dma_wait3A_126 = arith.constant 0 : i32
      %dma_wait3A_127 = arith.constant 0 : i32
      %dma_wait3A_128 = tpu.memref_slice %arg2[%dma_wait3A_126, %dma_wait3A_127] : memref<8192x64xf32, #tpu.memory_space<hbm>> -> memref<128x64xf32, #tpu.memory_space<hbm>>
      %dma_wait3A_129 = arith.constant 0 : i32
      %dma_wait3A_130 = arith.constant 0 : i32
      %dma_wait3A_131 = tpu.memref_slice %arg2[%dma_wait3A_129, %dma_wait3A_130] : memref<8192x64xf32, #tpu.memory_space<hbm>> -> memref<128x64xf32, #tpu.memory_space<hbm>>
      tpu.wait_dma2 semaphore(%arg13 : memref<!tpu.dma_semaphore, #tpu.memory_space<semaphore_mem>>) src(%dma_wait3A_131 : memref<128x64xf32, #tpu.memory_space<hbm>>) dst(%arg9 : memref<128x64xf32, #tpu.memory_space<vmem>>)
      %mul3A_132 = arith.constant 128 : i32
      %mul3A_133 = arith.muli %add3A_125, %mul3A_132 : i32
      %add3A_134 = arith.addi %mul3A_2, %mul3A_133 : i32
      %dma_start3A_135 = arith.constant 0 : i32
      %dma_start3A_136 = tpu.memref_slice %arg4[%add3A_134, %dma_start3A_135] : memref<196608x64xf32, #tpu.memory_space<hbm>> -> memref<128x64xf32, #tpu.memory_space<hbm>>
      %dma_start3A_137 = arith.constant 0 : i32
      %dma_start3A_138 = tpu.memref_slice %arg4[%add3A_134, %dma_start3A_137] : memref<196608x64xf32, #tpu.memory_space<hbm>> -> memref<128x64xf32, #tpu.memory_space<hbm>>
      tpu.enqueue_dma source(%arg9 : memref<128x64xf32, #tpu.memory_space<vmem>>) target(%dma_start3A_138 : memref<128x64xf32, #tpu.memory_space<hbm>>) target_semaphore(%arg17 : memref<!tpu.dma_semaphore, #tpu.memory_space<semaphore_mem>>)
      %add3A_139 = arith.constant 4 : i32
      %add3A_140 = arith.addi %add3A_125, %add3A_139 : i32
      %lt3A_141 = arith.constant 48 : i32
      %lt3A_142 = arith.cmpi slt, %add3A_140, %lt3A_141 : i32
      %convert_element_type3A_143 = arith.extui %lt3A_142 : i1 to i32
      %cond3A_144 = arith.constant 0 : i32
      %cond3A_145 = arith.cmpi ne, %convert_element_type3A_143, %cond3A_144 : i32
      scf.if %cond3A_145 {
        %dma_wait3A_146 = arith.constant 0 : i32
        %dma_wait3A_147 = tpu.memref_slice %arg4[%add3A_134, %dma_wait3A_146] : memref<196608x64xf32, #tpu.memory_space<hbm>> -> memref<128x64xf32, #tpu.memory_space<hbm>>
        %dma_wait3A_148 = arith.constant 0 : i32
        %dma_wait3A_149 = tpu.memref_slice %arg4[%add3A_134, %dma_wait3A_148] : memref<196608x64xf32, #tpu.memory_space<hbm>> -> memref<128x64xf32, #tpu.memory_space<hbm>>
        tpu.wait_dma2 semaphore(%arg17 : memref<!tpu.dma_semaphore, #tpu.memory_space<semaphore_mem>>) src(%arg9 : memref<128x64xf32, #tpu.memory_space<vmem>>) dst(%dma_wait3A_149 : memref<128x64xf32, #tpu.memory_space<hbm>>)
        %add3A_150 = arith.constant 4 : i32
        %add3A_151 = arith.addi %add3A_125, %add3A_150 : i32
        %dma_start3A_152 = arith.constant 0 : i32
        %dma_start3A_153 = tpu.memref_slice %arg5[%add3A_151, %dma_start3A_152] : memref<48x128xi32, #tpu.memory_space<vmem>> -> memref<1x128xi32, #tpu.memory_space<vmem>>
        %dma_start3A_154 = tpu.memref_squeeze %dma_start3A_153 : memref<1x128xi32, #tpu.memory_space<vmem>> -> memref<128xi32, #tpu.memory_space<vmem>>
        %dma_start3A_155 = arith.constant 0 : i32
        %dma_start3A_156 = arith.constant 0 : i32
        %dma_start3A_157 = tpu.memref_slice %arg2[%dma_start3A_155, %dma_start3A_156] : memref<8192x64xf32, #tpu.memory_space<hbm>> -> memref<8192x64xf32, #tpu.memory_space<hbm>>
        tpu.enqueue_indirect_dma source(%dma_start3A_157 : memref<8192x64xf32, #tpu.memory_space<hbm>>) target(%arg9 : memref<128x64xf32, #tpu.memory_space<vmem>>) offsets(%dma_start3A_154 : memref<128xi32, #tpu.memory_space<vmem>>) semaphore(%arg13 : memref<!tpu.dma_semaphore, #tpu.memory_space<semaphore_mem>>)
      } else {
      }
    }
    %scan3A_36 = arith.constant 12 : i32
    %dma_wait3A = arith.constant 0 : i32
    %dma_wait3A_37 = tpu.memref_slice %arg4[%mul3A_2, %dma_wait3A] : memref<196608x64xf32, #tpu.memory_space<hbm>> -> memref<128x64xf32, #tpu.memory_space<hbm>>
    %dma_wait3A_38 = arith.constant 0 : i32
    %dma_wait3A_39 = tpu.memref_slice %arg4[%mul3A_2, %dma_wait3A_38] : memref<196608x64xf32, #tpu.memory_space<hbm>> -> memref<128x64xf32, #tpu.memory_space<hbm>>
    tpu.wait_dma2 semaphore(%arg14 : memref<!tpu.dma_semaphore, #tpu.memory_space<semaphore_mem>>) src(%arg6 : memref<128x64xf32, #tpu.memory_space<vmem>>) dst(%dma_wait3A_39 : memref<128x64xf32, #tpu.memory_space<hbm>>)
    %dma_wait3A_40 = arith.constant 0 : i32
    %dma_wait3A_41 = tpu.memref_slice %arg4[%mul3A_2, %dma_wait3A_40] : memref<196608x64xf32, #tpu.memory_space<hbm>> -> memref<128x64xf32, #tpu.memory_space<hbm>>
    %dma_wait3A_42 = arith.constant 0 : i32
    %dma_wait3A_43 = tpu.memref_slice %arg4[%mul3A_2, %dma_wait3A_42] : memref<196608x64xf32, #tpu.memory_space<hbm>> -> memref<128x64xf32, #tpu.memory_space<hbm>>
    tpu.wait_dma2 semaphore(%arg15 : memref<!tpu.dma_semaphore, #tpu.memory_space<semaphore_mem>>) src(%arg7 : memref<128x64xf32, #tpu.memory_space<vmem>>) dst(%dma_wait3A_43 : memref<128x64xf32, #tpu.memory_space<hbm>>)
    %dma_wait3A_44 = arith.constant 0 : i32
    %dma_wait3A_45 = tpu.memref_slice %arg4[%mul3A_2, %dma_wait3A_44] : memref<196608x64xf32, #tpu.memory_space<hbm>> -> memref<128x64xf32, #tpu.memory_space<hbm>>
    %dma_wait3A_46 = arith.constant 0 : i32
    %dma_wait3A_47 = tpu.memref_slice %arg4[%mul3A_2, %dma_wait3A_46] : memref<196608x64xf32, #tpu.memory_space<hbm>> -> memref<128x64xf32, #tpu.memory_space<hbm>>
    tpu.wait_dma2 semaphore(%arg16 : memref<!tpu.dma_semaphore, #tpu.memory_space<semaphore_mem>>) src(%arg8 : memref<128x64xf32, #tpu.memory_space<vmem>>) dst(%dma_wait3A_47 : memref<128x64xf32, #tpu.memory_space<hbm>>)
    %dma_wait3A_48 = arith.constant 0 : i32
    %dma_wait3A_49 = tpu.memref_slice %arg4[%mul3A_2, %dma_wait3A_48] : memref<196608x64xf32, #tpu.memory_space<hbm>> -> memref<128x64xf32, #tpu.memory_space<hbm>>
    %dma_wait3A_50 = arith.constant 0 : i32
    %dma_wait3A_51 = tpu.memref_slice %arg4[%mul3A_2, %dma_wait3A_50] : memref<196608x64xf32, #tpu.memory_space<hbm>> -> memref<128x64xf32, #tpu.memory_space<hbm>>
    tpu.wait_dma2 semaphore(%arg17 : memref<!tpu.dma_semaphore, #tpu.memory_space<semaphore_mem>>) src(%arg9 : memref<128x64xf32, #tpu.memory_space<vmem>>) dst(%dma_wait3A_51 : memref<128x64xf32, #tpu.memory_space<hbm>>)
    return
  }
}

module attributes {stable_mosaic.version = 14 : i64} {
  func.func @_mlp_body(%arg0: i32, %arg1: memref<12x512x64xf32, #tpu.memory_space<vmem>>, %arg2: memref<512x12xf32, #tpu.memory_space<vmem>>, %arg3: memref<512x128xf32, #tpu.memory_space<vmem>>, %arg4: memref<4x64x64xf32, #tpu.memory_space<vmem>>, %arg5: memref<1x64xf32, #tpu.memory_space<vmem>>, %arg6: memref<64x64xf32, #tpu.memory_space<vmem>>, %arg7: memref<1x64xf32, #tpu.memory_space<vmem>>, %arg8: memref<64x16xf32, #tpu.memory_space<vmem>>, %arg9: memref<1x16xf32, #tpu.memory_space<vmem>>, %arg10: memref<4x16x512xf32, #tpu.memory_space<vmem>>) attributes {dimension_semantics = [#tpu.dimension_semantics<arbitrary>], iteration_bounds = array<i64: 32>, scalar_prefetch = 0 : i64, scratch_operands = 0 : i64, tpu.core_type = #tpu.core_type<tc>, window_params = [{transform_indices = @transform_0, window_bounds = array<i64: 12, 512, 64>}, {transform_indices = @transform_1, window_bounds = array<i64: 512, 12>}, {transform_indices = @transform_2, window_bounds = array<i64: 512, 128>}, {pipeline_mode = #tpu.pipeline_mode<synchronous>, transform_indices = @transform_3, window_bounds = array<i64: 4, 64, 64>}, {pipeline_mode = #tpu.pipeline_mode<synchronous>, transform_indices = @transform_4, window_bounds = array<i64: 1, 64>}, {pipeline_mode = #tpu.pipeline_mode<synchronous>, transform_indices = @transform_5, window_bounds = array<i64: 64, 64>}, {pipeline_mode = #tpu.pipeline_mode<synchronous>, transform_indices = @transform_6, window_bounds = array<i64: 1, 64>}, {pipeline_mode = #tpu.pipeline_mode<synchronous>, transform_indices = @transform_7, window_bounds = array<i64: 64, 16>}, {pipeline_mode = #tpu.pipeline_mode<synchronous>, transform_indices = @transform_8, window_bounds = array<i64: 1, 16>}, {transform_indices = @transform_9, window_bounds = array<i64: 4, 16, 512>}]} {
    %get3A = arith.constant 0 : index
    %get3A_0 = arith.constant 0 : index
    %get3A_1 = arith.constant 0 : index
    %get3A_2 = vector.load %arg1[%get3A, %get3A_0, %get3A_1] : memref<12x512x64xf32, #tpu.memory_space<vmem>>, vector<12x512x64xf32>
    %reshape3A = vector.shape_cast %get3A_2 : vector<12x512x64xf32> to vector<6144x64xf32>
    %get3A_3 = arith.constant 0 : index
    %get3A_4 = arith.constant 0 : index
    %get3A_5 = vector.load %arg2[%get3A_3, %get3A_4] : memref<512x12xf32, #tpu.memory_space<vmem>>, vector<512x12xf32>
    %get3A_6 = arith.constant 0 : index
    %get3A_7 = arith.constant 0 : index
    %get3A_8 = vector.load %arg3[%get3A_6, %get3A_7] : memref<512x128xf32, #tpu.memory_space<vmem>>, vector<512x128xf32>
    %slice3A = vector.extract_strided_slice %get3A_8 {offsets = [0, 0], sizes = [512, 64], strides = [1, 1]} : vector<512x128xf32> to vector<512x64xf32>
    %slice3A_9 = vector.extract_strided_slice %get3A_8 {offsets = [0, 64], sizes = [512, 1], strides = [1, 1]} : vector<512x128xf32> to vector<512x1xf32>
    %get3A_10 = arith.constant 0 : index
    %get3A_11 = arith.constant 0 : index
    %get3A_12 = vector.load %arg5[%get3A_10, %get3A_11] : memref<1x64xf32, #tpu.memory_space<vmem>>, vector<1x64xf32>
    %slice3A_13 = vector.extract_strided_slice %get3A_5 {offsets = [0, 0], sizes = [512, 1], strides = [1, 1]} : vector<512x12xf32> to vector<512x1xf32>
    %mul3A = vector.broadcast %slice3A_13 : vector<512x1xf32> to vector<512x64xf32>
    %mul3A_14 = vector.broadcast %get3A_12 : vector<1x64xf32> to vector<512x64xf32>
    %mul3A_15 = arith.mulf %mul3A, %mul3A_14 : vector<512x64xf32>
    %add3A = arith.addf %mul3A_15, %slice3A : vector<512x64xf32>
    %slice3A_16 = vector.extract_strided_slice %get3A_5 {offsets = [0, 1], sizes = [512, 1], strides = [1, 1]} : vector<512x12xf32> to vector<512x1xf32>
    %mul3A_17 = vector.broadcast %slice3A_16 : vector<512x1xf32> to vector<512x64xf32>
    %mul3A_18 = vector.broadcast %get3A_12 : vector<1x64xf32> to vector<512x64xf32>
    %mul3A_19 = arith.mulf %mul3A_17, %mul3A_18 : vector<512x64xf32>
    %add3A_20 = arith.addf %mul3A_19, %slice3A : vector<512x64xf32>
    %slice3A_21 = vector.extract_strided_slice %get3A_5 {offsets = [0, 2], sizes = [512, 1], strides = [1, 1]} : vector<512x12xf32> to vector<512x1xf32>
    %mul3A_22 = vector.broadcast %slice3A_21 : vector<512x1xf32> to vector<512x64xf32>
    %mul3A_23 = vector.broadcast %get3A_12 : vector<1x64xf32> to vector<512x64xf32>
    %mul3A_24 = arith.mulf %mul3A_22, %mul3A_23 : vector<512x64xf32>
    %add3A_25 = arith.addf %mul3A_24, %slice3A : vector<512x64xf32>
    %slice3A_26 = vector.extract_strided_slice %get3A_5 {offsets = [0, 3], sizes = [512, 1], strides = [1, 1]} : vector<512x12xf32> to vector<512x1xf32>
    %mul3A_27 = vector.broadcast %slice3A_26 : vector<512x1xf32> to vector<512x64xf32>
    %mul3A_28 = vector.broadcast %get3A_12 : vector<1x64xf32> to vector<512x64xf32>
    %mul3A_29 = arith.mulf %mul3A_27, %mul3A_28 : vector<512x64xf32>
    %add3A_30 = arith.addf %mul3A_29, %slice3A : vector<512x64xf32>
    %slice3A_31 = vector.extract_strided_slice %get3A_5 {offsets = [0, 4], sizes = [512, 1], strides = [1, 1]} : vector<512x12xf32> to vector<512x1xf32>
    %mul3A_32 = vector.broadcast %slice3A_31 : vector<512x1xf32> to vector<512x64xf32>
    %mul3A_33 = vector.broadcast %get3A_12 : vector<1x64xf32> to vector<512x64xf32>
    %mul3A_34 = arith.mulf %mul3A_32, %mul3A_33 : vector<512x64xf32>
    %add3A_35 = arith.addf %mul3A_34, %slice3A : vector<512x64xf32>
    %slice3A_36 = vector.extract_strided_slice %get3A_5 {offsets = [0, 5], sizes = [512, 1], strides = [1, 1]} : vector<512x12xf32> to vector<512x1xf32>
    %mul3A_37 = vector.broadcast %slice3A_36 : vector<512x1xf32> to vector<512x64xf32>
    %mul3A_38 = vector.broadcast %get3A_12 : vector<1x64xf32> to vector<512x64xf32>
    %mul3A_39 = arith.mulf %mul3A_37, %mul3A_38 : vector<512x64xf32>
    %add3A_40 = arith.addf %mul3A_39, %slice3A : vector<512x64xf32>
    %slice3A_41 = vector.extract_strided_slice %get3A_5 {offsets = [0, 6], sizes = [512, 1], strides = [1, 1]} : vector<512x12xf32> to vector<512x1xf32>
    %mul3A_42 = vector.broadcast %slice3A_41 : vector<512x1xf32> to vector<512x64xf32>
    %mul3A_43 = vector.broadcast %get3A_12 : vector<1x64xf32> to vector<512x64xf32>
    %mul3A_44 = arith.mulf %mul3A_42, %mul3A_43 : vector<512x64xf32>
    %add3A_45 = arith.addf %mul3A_44, %slice3A : vector<512x64xf32>
    %slice3A_46 = vector.extract_strided_slice %get3A_5 {offsets = [0, 7], sizes = [512, 1], strides = [1, 1]} : vector<512x12xf32> to vector<512x1xf32>
    %mul3A_47 = vector.broadcast %slice3A_46 : vector<512x1xf32> to vector<512x64xf32>
    %mul3A_48 = vector.broadcast %get3A_12 : vector<1x64xf32> to vector<512x64xf32>
    %mul3A_49 = arith.mulf %mul3A_47, %mul3A_48 : vector<512x64xf32>
    %add3A_50 = arith.addf %mul3A_49, %slice3A : vector<512x64xf32>
    %slice3A_51 = vector.extract_strided_slice %get3A_5 {offsets = [0, 8], sizes = [512, 1], strides = [1, 1]} : vector<512x12xf32> to vector<512x1xf32>
    %mul3A_52 = vector.broadcast %slice3A_51 : vector<512x1xf32> to vector<512x64xf32>
    %mul3A_53 = vector.broadcast %get3A_12 : vector<1x64xf32> to vector<512x64xf32>
    %mul3A_54 = arith.mulf %mul3A_52, %mul3A_53 : vector<512x64xf32>
    %add3A_55 = arith.addf %mul3A_54, %slice3A : vector<512x64xf32>
    %slice3A_56 = vector.extract_strided_slice %get3A_5 {offsets = [0, 9], sizes = [512, 1], strides = [1, 1]} : vector<512x12xf32> to vector<512x1xf32>
    %mul3A_57 = vector.broadcast %slice3A_56 : vector<512x1xf32> to vector<512x64xf32>
    %mul3A_58 = vector.broadcast %get3A_12 : vector<1x64xf32> to vector<512x64xf32>
    %mul3A_59 = arith.mulf %mul3A_57, %mul3A_58 : vector<512x64xf32>
    %add3A_60 = arith.addf %mul3A_59, %slice3A : vector<512x64xf32>
    %slice3A_61 = vector.extract_strided_slice %get3A_5 {offsets = [0, 10], sizes = [512, 1], strides = [1, 1]} : vector<512x12xf32> to vector<512x1xf32>
    %mul3A_62 = vector.broadcast %slice3A_61 : vector<512x1xf32> to vector<512x64xf32>
    %mul3A_63 = vector.broadcast %get3A_12 : vector<1x64xf32> to vector<512x64xf32>
    %mul3A_64 = arith.mulf %mul3A_62, %mul3A_63 : vector<512x64xf32>
    %add3A_65 = arith.addf %mul3A_64, %slice3A : vector<512x64xf32>
    %slice3A_66 = vector.extract_strided_slice %get3A_5 {offsets = [0, 11], sizes = [512, 1], strides = [1, 1]} : vector<512x12xf32> to vector<512x1xf32>
    %mul3A_67 = vector.broadcast %slice3A_66 : vector<512x1xf32> to vector<512x64xf32>
    %mul3A_68 = vector.broadcast %get3A_12 : vector<1x64xf32> to vector<512x64xf32>
    %mul3A_69 = arith.mulf %mul3A_67, %mul3A_68 : vector<512x64xf32>
    %add3A_70 = arith.addf %mul3A_69, %slice3A : vector<512x64xf32>
    %concatenate3A = tpu.concatenate %add3A, %add3A_20, %add3A_25, %add3A_30, %add3A_35, %add3A_40, %add3A_45, %add3A_50, %add3A_55, %add3A_60, %add3A_65, %add3A_70 in 0 : vector<512x64xf32>, vector<512x64xf32>, vector<512x64xf32>, vector<512x64xf32>, vector<512x64xf32>, vector<512x64xf32>, vector<512x64xf32>, vector<512x64xf32>, vector<512x64xf32>, vector<512x64xf32>, vector<512x64xf32>, vector<512x64xf32> -> vector<6144x64xf32>
    %get3A_71 = arith.constant 0 : index
    %get3A_72 = arith.constant 0 : index
    %get3A_73 = vector.load %arg6[%get3A_71, %get3A_72] : memref<64x64xf32, #tpu.memory_space<vmem>>, vector<64x64xf32>
    %get3A_74 = arith.constant 0 : index
    %get3A_75 = arith.constant 0 : index
    %get3A_76 = vector.load %arg7[%get3A_74, %get3A_75] : memref<1x64xf32, #tpu.memory_space<vmem>>, vector<1x64xf32>
    %get3A_77 = arith.constant 0 : index
    %get3A_78 = arith.constant 0 : index
    %get3A_79 = vector.load %arg8[%get3A_77, %get3A_78] : memref<64x16xf32, #tpu.memory_space<vmem>>, vector<64x16xf32>
    %get3A_80 = arith.constant 0 : index
    %get3A_81 = arith.constant 0 : index
    %get3A_82 = vector.load %arg9[%get3A_80, %get3A_81] : memref<1x16xf32, #tpu.memory_space<vmem>>, vector<1x16xf32>
    %convert_element_type3A = arith.truncf %get3A_73 : vector<64x64xf32> to vector<64x64xbf16>
    %get3A_83 = arith.constant 0 : index
    %get3A_84 = arith.constant 0 : index
    %get3A_85 = arith.constant 0 : index
    %get3A_86 = vector.load %arg4[%get3A_83, %get3A_84, %get3A_85] : memref<4x64x64xf32, #tpu.memory_space<vmem>>, vector<1x64x64xf32>
    %get3A_87 = vector.shape_cast %get3A_86 : vector<1x64x64xf32> to vector<64x64xf32>
    %dot_general3A = arith.constant dense<0.000000e+00> : vector<6144x64xf32>
    %dot_general3A_88 = tpu.matmul %reshape3A, %get3A_87, %dot_general3A {dimension_numbers = #tpu.dot_dimension_numbers<[1], [0], [0], [1], [0, 0, 1, 1], [], []>, transpose_lhs_hint = false} : vector<6144x64xf32>, vector<64x64xf32>, vector<6144x64xf32> -> vector<6144x64xf32>
    %add3A_89 = arith.addf %dot_general3A_88, %concatenate3A : vector<6144x64xf32>
    %convert_element_type3A_90 = arith.truncf %add3A_89 : vector<6144x64xf32> to vector<6144x64xbf16>
    %mul3A_91 = arith.constant 5.000000e-01 : bf16
    %mul3A_92 = vector.broadcast %mul3A_91 : bf16 to vector<6144x64xbf16>
    %mul3A_93 = arith.mulf %mul3A_92, %convert_element_type3A_90 : vector<6144x64xbf16>
    %mul3A_94 = arith.mulf %convert_element_type3A_90, %convert_element_type3A_90 : vector<6144x64xbf16>
    %mul3A_95 = arith.constant 3.564450e-02 : bf16
    %mul3A_96 = vector.broadcast %mul3A_95 : bf16 to vector<6144x64xbf16>
    %mul3A_97 = arith.mulf %mul3A_96, %mul3A_94 : vector<6144x64xbf16>
    %add3A_98 = arith.constant 7.968750e-01 : bf16
    %add3A_99 = vector.broadcast %add3A_98 : bf16 to vector<6144x64xbf16>
    %add3A_100 = arith.addf %add3A_99, %mul3A_97 : vector<6144x64xbf16>
    %mul3A_101 = arith.mulf %convert_element_type3A_90, %add3A_100 : vector<6144x64xbf16>
    %tanh3A = math.tanh %mul3A_101 : vector<6144x64xbf16>
    %mul3A_102 = arith.mulf %mul3A_93, %tanh3A : vector<6144x64xbf16>
    %add3A_103 = arith.addf %mul3A_93, %mul3A_102 : vector<6144x64xbf16>
    %dot_general3A_104 = arith.constant dense<0.000000e+00> : vector<6144x64xf32>
    %dot_general3A_105 = tpu.matmul %add3A_103, %convert_element_type3A, %dot_general3A_104 {dimension_numbers = #tpu.dot_dimension_numbers<[1], [0], [0], [1], [0, 0, 1, 1], [], []>, transpose_lhs_hint = false} : vector<6144x64xbf16>, vector<64x64xbf16>, vector<6144x64xf32> -> vector<6144x64xf32>
    %add3A_106 = vector.broadcast %get3A_76 : vector<1x64xf32> to vector<6144x64xf32>
    %add3A_107 = arith.addf %dot_general3A_105, %add3A_106 : vector<6144x64xf32>
    %convert_element_type3A_108 = arith.truncf %add3A_107 : vector<6144x64xf32> to vector<6144x64xbf16>
    %mul3A_109 = arith.constant 5.000000e-01 : bf16
    %mul3A_110 = vector.broadcast %mul3A_109 : bf16 to vector<6144x64xbf16>
    %mul3A_111 = arith.mulf %mul3A_110, %convert_element_type3A_108 : vector<6144x64xbf16>
    %mul3A_112 = arith.mulf %convert_element_type3A_108, %convert_element_type3A_108 : vector<6144x64xbf16>
    %mul3A_113 = arith.constant 3.564450e-02 : bf16
    %mul3A_114 = vector.broadcast %mul3A_113 : bf16 to vector<6144x64xbf16>
    %mul3A_115 = arith.mulf %mul3A_114, %mul3A_112 : vector<6144x64xbf16>
    %add3A_116 = arith.constant 7.968750e-01 : bf16
    %add3A_117 = vector.broadcast %add3A_116 : bf16 to vector<6144x64xbf16>
    %add3A_118 = arith.addf %add3A_117, %mul3A_115 : vector<6144x64xbf16>
    %mul3A_119 = arith.mulf %convert_element_type3A_108, %add3A_118 : vector<6144x64xbf16>
    %tanh3A_120 = math.tanh %mul3A_119 : vector<6144x64xbf16>
    %mul3A_121 = arith.mulf %mul3A_111, %tanh3A_120 : vector<6144x64xbf16>
    %add3A_122 = arith.addf %mul3A_111, %mul3A_121 : vector<6144x64xbf16>
    %convert_element_type3A_123 = arith.extf %add3A_122 : vector<6144x64xbf16> to vector<6144x64xf32>
    %reshape3A_124 = vector.shape_cast %convert_element_type3A_123 : vector<6144x64xf32> to vector<12x512x64xf32>
    %reduce_sum3A = arith.constant dense<0.000000e+00> : vector<512x64xf32>
    %reduce_sum3A_125 = vector.multi_reduction <add>, %reshape3A_124, %reduce_sum3A [0] : vector<12x512x64xf32> to vector<512x64xf32>
    %dot_general3A_126 = arith.constant dense<0.000000e+00> : vector<512x16xf32>
    %dot_general3A_127 = tpu.matmul %reduce_sum3A_125, %get3A_79, %dot_general3A_126 {dimension_numbers = #tpu.dot_dimension_numbers<[1], [0], [0], [1], [0, 0, 1, 1], [], []>, transpose_lhs_hint = false} : vector<512x64xf32>, vector<64x16xf32>, vector<512x16xf32> -> vector<512x16xf32>
    %mul3A_128 = arith.constant 0.0833333358 : f32
    %mul3A_129 = vector.broadcast %mul3A_128 : f32 to vector<512x16xf32>
    %mul3A_130 = arith.mulf %dot_general3A_127, %mul3A_129 : vector<512x16xf32>
    %add3A_131 = vector.broadcast %get3A_82 : vector<1x16xf32> to vector<512x16xf32>
    %add3A_132 = arith.addf %mul3A_130, %add3A_131 : vector<512x16xf32>
    %mul3A_133 = vector.broadcast %slice3A_9 : vector<512x1xf32> to vector<512x16xf32>
    %mul3A_134 = arith.mulf %add3A_132, %mul3A_133 : vector<512x16xf32>
    %transpose3A = tpu.transpose %mul3A_134, [1, 0] : vector<512x16xf32> -> vector<16x512xf32>
    %swap3A = arith.constant 0 : index
    %swap3A_135 = arith.constant 0 : index
    %swap3A_136 = arith.constant 0 : index
    %swap3A_137 = vector.load %arg10[%swap3A, %swap3A_135, %swap3A_136] : memref<4x16x512xf32, #tpu.memory_space<vmem>>, vector<1x16x512xf32>
    %swap3A_138 = vector.shape_cast %swap3A_137 : vector<1x16x512xf32> to vector<16x512xf32>
    %swap3A_139 = vector.shape_cast %transpose3A : vector<16x512xf32> to vector<1x16x512xf32>
    tpu.vector_store %arg10[%swap3A, %swap3A_135, %swap3A_136], %swap3A_139 {strides = array<i32>} : memref<4x16x512xf32, #tpu.memory_space<vmem>>, vector<1x16x512xf32>,
    %get3A_140 = arith.constant 1 : index
    %get3A_141 = arith.constant 0 : index
    %get3A_142 = arith.constant 0 : index
    %get3A_143 = vector.load %arg4[%get3A_140, %get3A_141, %get3A_142] : memref<4x64x64xf32, #tpu.memory_space<vmem>>, vector<1x64x64xf32>
    %get3A_144 = vector.shape_cast %get3A_143 : vector<1x64x64xf32> to vector<64x64xf32>
    %dot_general3A_145 = arith.constant dense<0.000000e+00> : vector<6144x64xf32>
    %dot_general3A_146 = tpu.matmul %reshape3A, %get3A_144, %dot_general3A_145 {dimension_numbers = #tpu.dot_dimension_numbers<[1], [0], [0], [1], [0, 0, 1, 1], [], []>, transpose_lhs_hint = false} : vector<6144x64xf32>, vector<64x64xf32>, vector<6144x64xf32> -> vector<6144x64xf32>
    %add3A_147 = arith.addf %dot_general3A_146, %concatenate3A : vector<6144x64xf32>
    %convert_element_type3A_148 = arith.truncf %add3A_147 : vector<6144x64xf32> to vector<6144x64xbf16>
    %mul3A_149 = arith.constant 5.000000e-01 : bf16
    %mul3A_150 = vector.broadcast %mul3A_149 : bf16 to vector<6144x64xbf16>
    %mul3A_151 = arith.mulf %mul3A_150, %convert_element_type3A_148 : vector<6144x64xbf16>
    %mul3A_152 = arith.mulf %convert_element_type3A_148, %convert_element_type3A_148 : vector<6144x64xbf16>
    %mul3A_153 = arith.constant 3.564450e-02 : bf16
    %mul3A_154 = vector.broadcast %mul3A_153 : bf16 to vector<6144x64xbf16>
    %mul3A_155 = arith.mulf %mul3A_154, %mul3A_152 : vector<6144x64xbf16>
    %add3A_156 = arith.constant 7.968750e-01 : bf16
    %add3A_157 = vector.broadcast %add3A_156 : bf16 to vector<6144x64xbf16>
    %add3A_158 = arith.addf %add3A_157, %mul3A_155 : vector<6144x64xbf16>
    %mul3A_159 = arith.mulf %convert_element_type3A_148, %add3A_158 : vector<6144x64xbf16>
    %tanh3A_160 = math.tanh %mul3A_159 : vector<6144x64xbf16>
    %mul3A_161 = arith.mulf %mul3A_151, %tanh3A_160 : vector<6144x64xbf16>
    %add3A_162 = arith.addf %mul3A_151, %mul3A_161 : vector<6144x64xbf16>
    %dot_general3A_163 = arith.constant dense<0.000000e+00> : vector<6144x64xf32>
    %dot_general3A_164 = tpu.matmul %add3A_162, %convert_element_type3A, %dot_general3A_163 {dimension_numbers = #tpu.dot_dimension_numbers<[1], [0], [0], [1], [0, 0, 1, 1], [], []>, transpose_lhs_hint = false} : vector<6144x64xbf16>, vector<64x64xbf16>, vector<6144x64xf32> -> vector<6144x64xf32>
    %add3A_165 = vector.broadcast %get3A_76 : vector<1x64xf32> to vector<6144x64xf32>
    %add3A_166 = arith.addf %dot_general3A_164, %add3A_165 : vector<6144x64xf32>
    %convert_element_type3A_167 = arith.truncf %add3A_166 : vector<6144x64xf32> to vector<6144x64xbf16>
    %mul3A_168 = arith.constant 5.000000e-01 : bf16
    %mul3A_169 = vector.broadcast %mul3A_168 : bf16 to vector<6144x64xbf16>
    %mul3A_170 = arith.mulf %mul3A_169, %convert_element_type3A_167 : vector<6144x64xbf16>
    %mul3A_171 = arith.mulf %convert_element_type3A_167, %convert_element_type3A_167 : vector<6144x64xbf16>
    %mul3A_172 = arith.constant 3.564450e-02 : bf16
    %mul3A_173 = vector.broadcast %mul3A_172 : bf16 to vector<6144x64xbf16>
    %mul3A_174 = arith.mulf %mul3A_173, %mul3A_171 : vector<6144x64xbf16>
    %add3A_175 = arith.constant 7.968750e-01 : bf16
    %add3A_176 = vector.broadcast %add3A_175 : bf16 to vector<6144x64xbf16>
    %add3A_177 = arith.addf %add3A_176, %mul3A_174 : vector<6144x64xbf16>
    %mul3A_178 = arith.mulf %convert_element_type3A_167, %add3A_177 : vector<6144x64xbf16>
    %tanh3A_179 = math.tanh %mul3A_178 : vector<6144x64xbf16>
    %mul3A_180 = arith.mulf %mul3A_170, %tanh3A_179 : vector<6144x64xbf16>
    %add3A_181 = arith.addf %mul3A_170, %mul3A_180 : vector<6144x64xbf16>
    %convert_element_type3A_182 = arith.extf %add3A_181 : vector<6144x64xbf16> to vector<6144x64xf32>
    %reshape3A_183 = vector.shape_cast %convert_element_type3A_182 : vector<6144x64xf32> to vector<12x512x64xf32>
    %reduce_sum3A_184 = arith.constant dense<0.000000e+00> : vector<512x64xf32>
    %reduce_sum3A_185 = vector.multi_reduction <add>, %reshape3A_183, %reduce_sum3A_184 [0] : vector<12x512x64xf32> to vector<512x64xf32>
    %dot_general3A_186 = arith.constant dense<0.000000e+00> : vector<512x16xf32>
    %dot_general3A_187 = tpu.matmul %reduce_sum3A_185, %get3A_79, %dot_general3A_186 {dimension_numbers = #tpu.dot_dimension_numbers<[1], [0], [0], [1], [0, 0, 1, 1], [], []>, transpose_lhs_hint = false} : vector<512x64xf32>, vector<64x16xf32>, vector<512x16xf32> -> vector<512x16xf32>
    %mul3A_188 = arith.constant 0.0833333358 : f32
    %mul3A_189 = vector.broadcast %mul3A_188 : f32 to vector<512x16xf32>
    %mul3A_190 = arith.mulf %dot_general3A_187, %mul3A_189 : vector<512x16xf32>
    %add3A_191 = vector.broadcast %get3A_82 : vector<1x16xf32> to vector<512x16xf32>
    %add3A_192 = arith.addf %mul3A_190, %add3A_191 : vector<512x16xf32>
    %mul3A_193 = vector.broadcast %slice3A_9 : vector<512x1xf32> to vector<512x16xf32>
    %mul3A_194 = arith.mulf %add3A_192, %mul3A_193 : vector<512x16xf32>
    %transpose3A_195 = tpu.transpose %mul3A_194, [1, 0] : vector<512x16xf32> -> vector<16x512xf32>
    %swap3A_196 = arith.constant 1 : index
    %swap3A_197 = arith.constant 0 : index
    %swap3A_198 = arith.constant 0 : index
    %swap3A_199 = vector.load %arg10[%swap3A_196, %swap3A_197, %swap3A_198] : memref<4x16x512xf32, #tpu.memory_space<vmem>>, vector<1x16x512xf32>
    %swap3A_200 = vector.shape_cast %swap3A_199 : vector<1x16x512xf32> to vector<16x512xf32>
    %swap3A_201 = vector.shape_cast %transpose3A_195 : vector<16x512xf32> to vector<1x16x512xf32>
    tpu.vector_store %arg10[%swap3A_196, %swap3A_197, %swap3A_198], %swap3A_201 {strides = array<i32>} : memref<4x16x512xf32, #tpu.memory_space<vmem>>, vector<1x16x512xf32>,
    %get3A_202 = arith.constant 2 : index
    %get3A_203 = arith.constant 0 : index
    %get3A_204 = arith.constant 0 : index
    %get3A_205 = vector.load %arg4[%get3A_202, %get3A_203, %get3A_204] : memref<4x64x64xf32, #tpu.memory_space<vmem>>, vector<1x64x64xf32>
    %get3A_206 = vector.shape_cast %get3A_205 : vector<1x64x64xf32> to vector<64x64xf32>
    %dot_general3A_207 = arith.constant dense<0.000000e+00> : vector<6144x64xf32>
    %dot_general3A_208 = tpu.matmul %reshape3A, %get3A_206, %dot_general3A_207 {dimension_numbers = #tpu.dot_dimension_numbers<[1], [0], [0], [1], [0, 0, 1, 1], [], []>, transpose_lhs_hint = false} : vector<6144x64xf32>, vector<64x64xf32>, vector<6144x64xf32> -> vector<6144x64xf32>
    %add3A_209 = arith.addf %dot_general3A_208, %concatenate3A : vector<6144x64xf32>
    %convert_element_type3A_210 = arith.truncf %add3A_209 : vector<6144x64xf32> to vector<6144x64xbf16>
    %mul3A_211 = arith.constant 5.000000e-01 : bf16
    %mul3A_212 = vector.broadcast %mul3A_211 : bf16 to vector<6144x64xbf16>
    %mul3A_213 = arith.mulf %mul3A_212, %convert_element_type3A_210 : vector<6144x64xbf16>
    %mul3A_214 = arith.mulf %convert_element_type3A_210, %convert_element_type3A_210 : vector<6144x64xbf16>
    %mul3A_215 = arith.constant 3.564450e-02 : bf16
    %mul3A_216 = vector.broadcast %mul3A_215 : bf16 to vector<6144x64xbf16>
    %mul3A_217 = arith.mulf %mul3A_216, %mul3A_214 : vector<6144x64xbf16>
    %add3A_218 = arith.constant 7.968750e-01 : bf16
    %add3A_219 = vector.broadcast %add3A_218 : bf16 to vector<6144x64xbf16>
    %add3A_220 = arith.addf %add3A_219, %mul3A_217 : vector<6144x64xbf16>
    %mul3A_221 = arith.mulf %convert_element_type3A_210, %add3A_220 : vector<6144x64xbf16>
    %tanh3A_222 = math.tanh %mul3A_221 : vector<6144x64xbf16>
    %mul3A_223 = arith.mulf %mul3A_213, %tanh3A_222 : vector<6144x64xbf16>
    %add3A_224 = arith.addf %mul3A_213, %mul3A_223 : vector<6144x64xbf16>
    %dot_general3A_225 = arith.constant dense<0.000000e+00> : vector<6144x64xf32>
    %dot_general3A_226 = tpu.matmul %add3A_224, %convert_element_type3A, %dot_general3A_225 {dimension_numbers = #tpu.dot_dimension_numbers<[1], [0], [0], [1], [0, 0, 1, 1], [], []>, transpose_lhs_hint = false} : vector<6144x64xbf16>, vector<64x64xbf16>, vector<6144x64xf32> -> vector<6144x64xf32>
    %add3A_227 = vector.broadcast %get3A_76 : vector<1x64xf32> to vector<6144x64xf32>
    %add3A_228 = arith.addf %dot_general3A_226, %add3A_227 : vector<6144x64xf32>
    %convert_element_type3A_229 = arith.truncf %add3A_228 : vector<6144x64xf32> to vector<6144x64xbf16>
    %mul3A_230 = arith.constant 5.000000e-01 : bf16
    %mul3A_231 = vector.broadcast %mul3A_230 : bf16 to vector<6144x64xbf16>
    %mul3A_232 = arith.mulf %mul3A_231, %convert_element_type3A_229 : vector<6144x64xbf16>
    %mul3A_233 = arith.mulf %convert_element_type3A_229, %convert_element_type3A_229 : vector<6144x64xbf16>
    %mul3A_234 = arith.constant 3.564450e-02 : bf16
    %mul3A_235 = vector.broadcast %mul3A_234 : bf16 to vector<6144x64xbf16>
    %mul3A_236 = arith.mulf %mul3A_235, %mul3A_233 : vector<6144x64xbf16>
    %add3A_237 = arith.constant 7.968750e-01 : bf16
    %add3A_238 = vector.broadcast %add3A_237 : bf16 to vector<6144x64xbf16>
    %add3A_239 = arith.addf %add3A_238, %mul3A_236 : vector<6144x64xbf16>
    %mul3A_240 = arith.mulf %convert_element_type3A_229, %add3A_239 : vector<6144x64xbf16>
    %tanh3A_241 = math.tanh %mul3A_240 : vector<6144x64xbf16>
    %mul3A_242 = arith.mulf %mul3A_232, %tanh3A_241 : vector<6144x64xbf16>
    %add3A_243 = arith.addf %mul3A_232, %mul3A_242 : vector<6144x64xbf16>
    %convert_element_type3A_244 = arith.extf %add3A_243 : vector<6144x64xbf16> to vector<6144x64xf32>
    %reshape3A_245 = vector.shape_cast %convert_element_type3A_244 : vector<6144x64xf32> to vector<12x512x64xf32>
    %reduce_sum3A_246 = arith.constant dense<0.000000e+00> : vector<512x64xf32>
    %reduce_sum3A_247 = vector.multi_reduction <add>, %reshape3A_245, %reduce_sum3A_246 [0] : vector<12x512x64xf32> to vector<512x64xf32>
    %dot_general3A_248 = arith.constant dense<0.000000e+00> : vector<512x16xf32>
    %dot_general3A_249 = tpu.matmul %reduce_sum3A_247, %get3A_79, %dot_general3A_248 {dimension_numbers = #tpu.dot_dimension_numbers<[1], [0], [0], [1], [0, 0, 1, 1], [], []>, transpose_lhs_hint = false} : vector<512x64xf32>, vector<64x16xf32>, vector<512x16xf32> -> vector<512x16xf32>
    %mul3A_250 = arith.constant 0.0833333358 : f32
    %mul3A_251 = vector.broadcast %mul3A_250 : f32 to vector<512x16xf32>
    %mul3A_252 = arith.mulf %dot_general3A_249, %mul3A_251 : vector<512x16xf32>
    %add3A_253 = vector.broadcast %get3A_82 : vector<1x16xf32> to vector<512x16xf32>
    %add3A_254 = arith.addf %mul3A_252, %add3A_253 : vector<512x16xf32>
    %mul3A_255 = vector.broadcast %slice3A_9 : vector<512x1xf32> to vector<512x16xf32>
    %mul3A_256 = arith.mulf %add3A_254, %mul3A_255 : vector<512x16xf32>
    %transpose3A_257 = tpu.transpose %mul3A_256, [1, 0] : vector<512x16xf32> -> vector<16x512xf32>
    %swap3A_258 = arith.constant 2 : index
    %swap3A_259 = arith.constant 0 : index
    %swap3A_260 = arith.constant 0 : index
    %swap3A_261 = vector.load %arg10[%swap3A_258, %swap3A_259, %swap3A_260] : memref<4x16x512xf32, #tpu.memory_space<vmem>>, vector<1x16x512xf32>
    %swap3A_262 = vector.shape_cast %swap3A_261 : vector<1x16x512xf32> to vector<16x512xf32>
    %swap3A_263 = vector.shape_cast %transpose3A_257 : vector<16x512xf32> to vector<1x16x512xf32>
    tpu.vector_store %arg10[%swap3A_258, %swap3A_259, %swap3A_260], %swap3A_263 {strides = array<i32>} : memref<4x16x512xf32, #tpu.memory_space<vmem>>, vector<1x16x512xf32>,
    %get3A_264 = arith.constant 3 : index
    %get3A_265 = arith.constant 0 : index
    %get3A_266 = arith.constant 0 : index
    %get3A_267 = vector.load %arg4[%get3A_264, %get3A_265, %get3A_266] : memref<4x64x64xf32, #tpu.memory_space<vmem>>, vector<1x64x64xf32>
    %get3A_268 = vector.shape_cast %get3A_267 : vector<1x64x64xf32> to vector<64x64xf32>
    %dot_general3A_269 = arith.constant dense<0.000000e+00> : vector<6144x64xf32>
    %dot_general3A_270 = tpu.matmul %reshape3A, %get3A_268, %dot_general3A_269 {dimension_numbers = #tpu.dot_dimension_numbers<[1], [0], [0], [1], [0, 0, 1, 1], [], []>, transpose_lhs_hint = false} : vector<6144x64xf32>, vector<64x64xf32>, vector<6144x64xf32> -> vector<6144x64xf32>
    %add3A_271 = arith.addf %dot_general3A_270, %concatenate3A : vector<6144x64xf32>
    %convert_element_type3A_272 = arith.truncf %add3A_271 : vector<6144x64xf32> to vector<6144x64xbf16>
    %mul3A_273 = arith.constant 5.000000e-01 : bf16
    %mul3A_274 = vector.broadcast %mul3A_273 : bf16 to vector<6144x64xbf16>
    %mul3A_275 = arith.mulf %mul3A_274, %convert_element_type3A_272 : vector<6144x64xbf16>
    %mul3A_276 = arith.mulf %convert_element_type3A_272, %convert_element_type3A_272 : vector<6144x64xbf16>
    %mul3A_277 = arith.constant 3.564450e-02 : bf16
    %mul3A_278 = vector.broadcast %mul3A_277 : bf16 to vector<6144x64xbf16>
    %mul3A_279 = arith.mulf %mul3A_278, %mul3A_276 : vector<6144x64xbf16>
    %add3A_280 = arith.constant 7.968750e-01 : bf16
    %add3A_281 = vector.broadcast %add3A_280 : bf16 to vector<6144x64xbf16>
    %add3A_282 = arith.addf %add3A_281, %mul3A_279 : vector<6144x64xbf16>
    %mul3A_283 = arith.mulf %convert_element_type3A_272, %add3A_282 : vector<6144x64xbf16>
    %tanh3A_284 = math.tanh %mul3A_283 : vector<6144x64xbf16>
    %mul3A_285 = arith.mulf %mul3A_275, %tanh3A_284 : vector<6144x64xbf16>
    %add3A_286 = arith.addf %mul3A_275, %mul3A_285 : vector<6144x64xbf16>
    %dot_general3A_287 = arith.constant dense<0.000000e+00> : vector<6144x64xf32>
    %dot_general3A_288 = tpu.matmul %add3A_286, %convert_element_type3A, %dot_general3A_287 {dimension_numbers = #tpu.dot_dimension_numbers<[1], [0], [0], [1], [0, 0, 1, 1], [], []>, transpose_lhs_hint = false} : vector<6144x64xbf16>, vector<64x64xbf16>, vector<6144x64xf32> -> vector<6144x64xf32>
    %add3A_289 = vector.broadcast %get3A_76 : vector<1x64xf32> to vector<6144x64xf32>
    %add3A_290 = arith.addf %dot_general3A_288, %add3A_289 : vector<6144x64xf32>
    %convert_element_type3A_291 = arith.truncf %add3A_290 : vector<6144x64xf32> to vector<6144x64xbf16>
    %mul3A_292 = arith.constant 5.000000e-01 : bf16
    %mul3A_293 = vector.broadcast %mul3A_292 : bf16 to vector<6144x64xbf16>
    %mul3A_294 = arith.mulf %mul3A_293, %convert_element_type3A_291 : vector<6144x64xbf16>
    %mul3A_295 = arith.mulf %convert_element_type3A_291, %convert_element_type3A_291 : vector<6144x64xbf16>
    %mul3A_296 = arith.constant 3.564450e-02 : bf16
    %mul3A_297 = vector.broadcast %mul3A_296 : bf16 to vector<6144x64xbf16>
    %mul3A_298 = arith.mulf %mul3A_297, %mul3A_295 : vector<6144x64xbf16>
    %add3A_299 = arith.constant 7.968750e-01 : bf16
    %add3A_300 = vector.broadcast %add3A_299 : bf16 to vector<6144x64xbf16>
    %add3A_301 = arith.addf %add3A_300, %mul3A_298 : vector<6144x64xbf16>
    %mul3A_302 = arith.mulf %convert_element_type3A_291, %add3A_301 : vector<6144x64xbf16>
    %tanh3A_303 = math.tanh %mul3A_302 : vector<6144x64xbf16>
    %mul3A_304 = arith.mulf %mul3A_294, %tanh3A_303 : vector<6144x64xbf16>
    %add3A_305 = arith.addf %mul3A_294, %mul3A_304 : vector<6144x64xbf16>
    %convert_element_type3A_306 = arith.extf %add3A_305 : vector<6144x64xbf16> to vector<6144x64xf32>
    %reshape3A_307 = vector.shape_cast %convert_element_type3A_306 : vector<6144x64xf32> to vector<12x512x64xf32>
    %reduce_sum3A_308 = arith.constant dense<0.000000e+00> : vector<512x64xf32>
    %reduce_sum3A_309 = vector.multi_reduction <add>, %reshape3A_307, %reduce_sum3A_308 [0] : vector<12x512x64xf32> to vector<512x64xf32>
    %dot_general3A_310 = arith.constant dense<0.000000e+00> : vector<512x16xf32>
    %dot_general3A_311 = tpu.matmul %reduce_sum3A_309, %get3A_79, %dot_general3A_310 {dimension_numbers = #tpu.dot_dimension_numbers<[1], [0], [0], [1], [0, 0, 1, 1], [], []>, transpose_lhs_hint = false} : vector<512x64xf32>, vector<64x16xf32>, vector<512x16xf32> -> vector<512x16xf32>
    %mul3A_312 = arith.constant 0.0833333358 : f32
    %mul3A_313 = vector.broadcast %mul3A_312 : f32 to vector<512x16xf32>
    %mul3A_314 = arith.mulf %dot_general3A_311, %mul3A_313 : vector<512x16xf32>
    %add3A_315 = vector.broadcast %get3A_82 : vector<1x16xf32> to vector<512x16xf32>
    %add3A_316 = arith.addf %mul3A_314, %add3A_315 : vector<512x16xf32>
    %mul3A_317 = vector.broadcast %slice3A_9 : vector<512x1xf32> to vector<512x16xf32>
    %mul3A_318 = arith.mulf %add3A_316, %mul3A_317 : vector<512x16xf32>
    %transpose3A_319 = tpu.transpose %mul3A_318, [1, 0] : vector<512x16xf32> -> vector<16x512xf32>
    %swap3A_320 = arith.constant 3 : index
    %swap3A_321 = arith.constant 0 : index
    %swap3A_322 = arith.constant 0 : index
    %swap3A_323 = vector.load %arg10[%swap3A_320, %swap3A_321, %swap3A_322] : memref<4x16x512xf32, #tpu.memory_space<vmem>>, vector<1x16x512xf32>
    %swap3A_324 = vector.shape_cast %swap3A_323 : vector<1x16x512xf32> to vector<16x512xf32>
    %swap3A_325 = vector.shape_cast %transpose3A_319 : vector<16x512xf32> to vector<1x16x512xf32>
    tpu.vector_store %arg10[%swap3A_320, %swap3A_321, %swap3A_322], %swap3A_325 {strides = array<i32>} : memref<4x16x512xf32, #tpu.memory_space<vmem>>, vector<1x16x512xf32>,
    return
  }
  func.func @transform_0(%arg0: i32) -> (i32, i32, i32) {
    %c0_i32 = arith.constant 0 : i32
    %c0_i32_0 = arith.constant 0 : i32
    %c0_i32_1 = arith.constant 0 : i32
    return %c0_i32, %arg0, %c0_i32_0 : i32, i32, i32
  }
  func.func @transform_1(%arg0: i32) -> (i32, i32) {
    %c0_i32 = arith.constant 0 : i32
    %c0_i32_0 = arith.constant 0 : i32
    return %arg0, %c0_i32 : i32, i32
  }
  func.func @transform_2(%arg0: i32) -> (i32, i32) {
    %c0_i32 = arith.constant 0 : i32
    %c0_i32_0 = arith.constant 0 : i32
    return %arg0, %c0_i32 : i32, i32
  }
  func.func @transform_3(%arg0: i32) -> (i32, i32, i32) {
    %c0_i32 = arith.constant 0 : i32
    %c0_i32_0 = arith.constant 0 : i32
    %c0_i32_1 = arith.constant 0 : i32
    %c0_i32_2 = arith.constant 0 : i32
    return %c0_i32, %c0_i32_0, %c0_i32_1 : i32, i32, i32
  }
  func.func @transform_4(%arg0: i32) -> (i32, i32) {
    %c0_i32 = arith.constant 0 : i32
    %c0_i32_0 = arith.constant 0 : i32
    %c0_i32_1 = arith.constant 0 : i32
    return %c0_i32, %c0_i32_0 : i32, i32
  }
  func.func @transform_5(%arg0: i32) -> (i32, i32) {
    %c0_i32 = arith.constant 0 : i32
    %c0_i32_0 = arith.constant 0 : i32
    %c0_i32_1 = arith.constant 0 : i32
    return %c0_i32, %c0_i32_0 : i32, i32
  }
  func.func @transform_6(%arg0: i32) -> (i32, i32) {
    %c0_i32 = arith.constant 0 : i32
    %c0_i32_0 = arith.constant 0 : i32
    %c0_i32_1 = arith.constant 0 : i32
    return %c0_i32, %c0_i32_0 : i32, i32
  }
  func.func @transform_7(%arg0: i32) -> (i32, i32) {
    %c0_i32 = arith.constant 0 : i32
    %c0_i32_0 = arith.constant 0 : i32
    %c0_i32_1 = arith.constant 0 : i32
    return %c0_i32, %c0_i32_0 : i32, i32
  }
  func.func @transform_8(%arg0: i32) -> (i32, i32) {
    %c0_i32 = arith.constant 0 : i32
    %c0_i32_0 = arith.constant 0 : i32
    %c0_i32_1 = arith.constant 0 : i32
    return %c0_i32, %c0_i32_0 : i32, i32
  }
  func.func @transform_9(%arg0: i32) -> (i32, i32, i32) {
    %c0_i32 = arith.constant 0 : i32
    %c0_i32_0 = arith.constant 0 : i32
    %c0_i32_1 = arith.constant 0 : i32
    return %c0_i32, %c0_i32_0, %arg0 : i32, i32, i32
  }
}

</mosaic_0001>

<sc_bundles>
// kernel: kernel.4.cloned.1.call-start
scs
__scs_entry_jumppad:
0x0: {  	(pc) =	sbr.rel $0x88, $3  }
0x1: {  	(tag) =	ssettag $0x0;
	lr =	simm.s32 $0x1  }
0x2: {  	[smem:$0x3F98] =	sst lr;
	_ =	strace $0xD0000000  }
0x3: {  	_ = 	snop  }
0x4: {  	_ = 	snop  }
0x5: {  	_ = 	snop  }
0x6: {  	_ = 	snop  }
0x7: {  	_ = 	snop  }
__scs_overlays_trampoline_lowered:
0x8: {  	[smem:$0x3FA7] =	sst s0  }
0x9: {  	[smem:$0x3FA8] =	sst s1  }
0xa: {  	[smem:$0x3FA9] =	sst s2  }
0xb: {  	[smem:$0x3FAA] =	sst s3  }
0xc: {  	[smem:$0x3FAB] =	sst s4  }
0xd: {  	[smem:$0x3FAC] =	sst s5  }
0xe: {  	[smem:$0x3FAD] =	sst s6  }
0xf: {  	[smem:$0x3FAE] =	sst s7  }
0x10: {  	[smem:$0x3FAF] =	sst s8  }
0x11: {  	[smem:$0x3FB0] =	sst s9;
	s0 =	simm.s32 @!p0 $0x0  }
0x12: {  	s1 =	sld [smem:$0x3F96];
	s0 =	simm.s32 @p0 $0x1  }
0x13: {  	[smem:$0x3FB1] =	sst s0;
	s0 =	simm.s32 @!p1 $0x0  }
0x14: {  	s2 =	sld [smem:$0x3F95];
	s0 =	simm.s32 @p1 $0x1  }
0x15: {  	[smem:$0x3FB2] =	sst s0;
	s0 =	simm.s32 @!p2 $0x0  }
0x16: {  	s3 =	sld [smem:$0x3FDB];
	s0 =	simm.s32 @p2 $0x1  }
0x17: {  	s4 =	simm.s32 $0x1BF5;
	[smem:$0x3FB4] =	sst s0  }
0x18: {  	s0 =	sld [smem:$0x3F97];
	_ =	swait.ge [sflag:s4], $0x0  }
0x19: {  	s7 =	sld [smem:$0x3F98]  }
0x1a: {  	s8 =	sadd.s32 $0xFFFFE003, lr  }
0x1b: {  	s9 =	sadd.s32 $0xFFFFFEF7, lr;
	s5 =	simm.s32 $0xFFFFFFFF;
	p2 =	slt.u32 s8, $0xFFFFF086  }
0x1c: {  	p1 =	slt.u32 s9, $0xF7A;
	s5 =	simm.s32 @!p2 $0x0  }
0x1d: {  	s5 =	simm.s32 @p1 $0x1;
	p0 =	seq.s32 s7, s2  }
0x1e: {  	s7 =	smul.u32 @!p0 $0xF7A, s2;
	p2 =	seq.s32 @!p0 s5, $0x0  }
0x1f: {  	s9 =	smul.u32 $0xF7A, s1;
	s8 =	simm.s32 @!p0 $0x1BF5;
	p2 =	por !p2, p0  }
0x20: {  	[sflag:s8] =	ssyncset.s32 @!p0 $0xFFFFF086;
	s6 =	sadd.s32 @!p0 s3, s7;
	s7 =	simm.s32 @!p0 $0x108  }
0x21: {  	s3 =	sadd.s32 s3, s9;
	s6 =	sadd.s32 @!p0 $0x88, s6;
	s7 =	simm.s32 @p2 $0x1082  }
0x22: {  	[simem:s7], [sflag:s8] =	dma.local @!p0 [hbm:s6], $0xF7A  }
0x23: {  	s9 =	sor.u32 $0xD0000000, s2;
	s6 =	simm.s32 $0x108;
	_ =	swait.ge @!p0 [sflag:s8], $0x0  }
0x24: {  	s3 =	sadd.s32 $0x88, s3;
	s6 =	simm.s32 @!p1 $0x1082;
	[sflag:s4] =	ssyncset.s32 $0xFFFFF086  }
0x25: {  	[simem:s6], [sflag:s4] =	dma.local [hbm:s3], $0xF7A  }
0x26: {  	[smem:$0x3F98] =	sst s1;
	(tag) =	ssettag s2;
	_ =	strace s9  }
0x27: {  	s1 =	sld [smem:$0x3FA8]  }
0x28: {  	s2 =	sld [smem:$0x3FA9]  }
0x29: {  	s4 =	sld [smem:$0x3FAB]  }
0x2a: {  	p0 =	seq.s32 s5, $0x0;
	s5 =	sld [smem:$0x3FAC]  }
0x2b: {  	s6 =	sld [smem:$0x3FAD]  }
0x2c: {  	s7 =	sld [smem:$0x3FAE]  }
0x2d: {  	s3 =	simm.s32 $0x108;
	s8 =	sld [smem:$0x3FAF]  }
0x2e: {  	s3 =	simm.s32 @!p0 $0x1082;
	s9 =	sld [smem:$0x3FB0]  }
0x2f: {  	lr =	sadd.s32 s0, s3;
	s0 =	sld [smem:$0x3FA7]  }
0x30: {  	s3 =	sld [smem:$0x3FAA]  }
0x31: {  	[smem:$0x3FB3] =	sst s10  }
0x32: {  	s10 =	sld [smem:$0x3FB1];
	_ =	sdelay $0x3  }
0x33: {  	p0 =	seq.s32 s10, $0x1;
	s10 =	sld [smem:$0x3FB3];
	_ =	sdelay $0x3  }
0x34: {  	[smem:$0x3FB3] =	sst s10  }
0x35: {  	s10 =	sld [smem:$0x3FB2];
	_ =	sdelay $0x3  }
0x36: {  	p1 =	seq.s32 s10, $0x1;
	s10 =	sld [smem:$0x3FB3];
	_ =	sdelay $0x3  }
0x37: {  	[smem:$0x3FB3] =	sst s10  }
0x38: {  	s10 =	sld [smem:$0x3FB4]  }
0x39: {  	_ = 	snop;
	(pc) =	sbr.ind lr, $3  }
0x3a: {  	_ = 	snop  }
0x3b: {  	_ = 	snop  }
0x3c: {  	p2 =	seq.s32 s10, $0x1;
	s10 =	sld [smem:$0x3FB3]  }
0x3d: {  	_ =	shalt  }
0x3e: {  	_ =	shalt  }
0x3f: {  	_ =	shalt  }
0x40: {  	_ =	shalt  }
0x41: {  	_ =	shalt  }
0x42: {  	_ =	shalt  }
0x43: {  	_ =	shalt  }
0x44: {  	_ =	shalt  }
0x45: {  	_ =	shalt  }
0x46: {  	_ =	shalt  }
0x47: {  	_ =	shalt  }
0x48: {  	_ =	shalt  }
0x49: {  	_ =	shalt  }
0x4a: {  	_ =	shalt  }
0x4b: {  	_ =	shalt  }
0x4c: {  	_ =	shalt  }
0x4d: {  	_ =	shalt  }
0x4e: {  	_ =	shalt  }
0x4f: {  	_ =	shalt  }
0x50: {  	_ =	shalt  }
0x51: {  	_ =	shalt  }
0x52: {  	_ =	shalt  }
0x53: {  	_ =	shalt  }
0x54: {  	_ =	shalt  }
0x55: {  	_ =	shalt  }
0x56: {  	_ =	shalt  }
0x57: {  	_ =	shalt  }
0x58: {  	_ =	shalt  }
0x59: {  	_ =	shalt  }
0x5a: {  	_ =	shalt  }
0x5b: {  	_ =	shalt  }
0x5c: {  	_ =	shalt  }
0x5d: {  	_ =	shalt  }
0x5e: {  	_ =	shalt  }
0x5f: {  	_ =	shalt  }
0x60: {  	_ =	shalt  }
0x61: {  	_ =	shalt  }
0x62: {  	_ =	shalt  }
0x63: {  	_ =	shalt  }
0x64: {  	_ =	shalt  }
0x65: {  	_ =	shalt  }
0x66: {  	_ =	shalt  }
0x67: {  	_ =	shalt  }
0x68: {  	_ =	shalt  }
0x69: {  	_ =	shalt  }
0x6a: {  	_ =	shalt  }
0x6b: {  	_ =	shalt  }
0x6c: {  	_ =	shalt  }
0x6d: {  	_ =	shalt  }
0x6e: {  	_ =	shalt  }
0x6f: {  	_ =	shalt  }
0x70: {  	_ =	shalt  }
0x71: {  	_ =	shalt  }
0x72: {  	_ =	shalt  }
0x73: {  	_ =	shalt  }
0x74: {  	_ =	shalt  }
0x75: {  	_ =	shalt  }
0x76: {  	_ =	shalt  }
0x77: {  	_ =	shalt  }
0x78: {  	_ =	shalt  }
0x79: {  	_ =	shalt  }
0x7a: {  	_ =	shalt  }
0x7b: {  	_ =	shalt  }
0x7c: {  	_ =	shalt  }
0x7d: {  	_ =	shalt  }
0x7e: {  	_ =	shalt  }
0x7f: {  	_ =	shalt  }
0x80: {  	_ =	shalt  }
0x81: {  	_ =	shalt  }
0x82: {  	_ =	shalt  }
0x83: {  	_ =	shalt  }
0x84: {  	_ =	shalt  }
0x85: {  	_ =	shalt  }
0x86: {  	_ =	shalt  }
0x87: {  	_ =	shalt  }
.Lfunc_end0:
.L_simem_size_0:
called_computation_lowered:
.L_overlay_start_0:
0x88: {  	s2 =	sld [smem:$0x3FD9]  }
0x89: {  	s3 =	sld [smem:$0x3FFE];
	_ =	sdelay $0x1  }
0x8a: {  	s1 =	srdreg.scid  }
0x8b: {  	s0 =	sand.u32 $0x1, s1  }
0x8c: {  	s17 =	sshll.u32 s0, $0xA;
	s2 =	sadd.s32 s3, s2  }
0x8d: {  	s2 =	sadd.s32 s2, s17  }
0x8e: {  	[smem:$0x3FBF] =	sst s2  }
0x8f: {  	_ = 	snop  }
0x90: {  	s2 =	sld [smem:$0x3FD0];
	(tm) =	ssettm $0x1  }
0x91: {  	s18 =	sld [smem:$0x3FFB];
	_ =	sdelay $0x3  }
0x92: {  	_ =	strace s18  }
0x93: {  	s3 =	sld [smem:$0x3FFC];
	_ =	sdelay $0x3  }
0x94: {  	_ =	strace s3  }
0x95: {  	s3 =	sld [smem:$0x3FFD];
	_ =	sdelay $0x3  }
0x96: {  	_ =	strace s3  }
0x97: {  	_ =	strace $0x8FFFFFFF  }
0x98: {  	s19 =	sld [smem:$0x3FDB];
	_ =	sdelay $0x1  }
0x99: {  	s4 =	simm.s32 $_scs_section_size  }
0x9a: {  	s5 =	simm.s32 $_size__tile_overlayer_lowered;
	s6 =	simm.s32 $_tile_overlayer_lowered  }
0x9b: {  	s22 =	simm.s32 $0x1BFF;
	s21 =	sshll.u32 s6, $0x1;
	s3 =	sadd.s32 s4, s19  }
0x9c: {  	s7 =	simm.s32 $0x0;
	s20 =	sshll.u32 s5, $0x1;
	s5 =	sadd.s32 s21, s3  }
0x9d: {  	[timem:s7], [sflag:s22] =	dma.local [hbm:s5], s20  }
0x9e: {  	_ =	swait.ge [sflag:s22], s20  }
0x9f: {  	s4 =	ssub.s32 $0x0, s20;
	[sflag:s22] =	ssyncset.done $0x0  }
0xa0: {  	[sflag:s22] =	ssyncadd.s32 s4;
	_ =	sdelay $0x1  }
0xa1: {  	s23 =	simm.s32 $0x1B8B  }
0xa2: {  	_ =	swait.ge [sflag:s23], $0x1  }
0xa3: {  	[sflag:s23] =	ssyncset.done $0x0  }
0xa4: {  	s25 =	simm.s32 $0x1B8E;
	s24 =	sld [smem:$0x3FFE];
	[sflag:s23] =	ssyncadd.s32 $0xFFFFFFFF  }
0xa5: {  	s26 =	simm.s32 $execute0_lowered;
	[smem:$0x3FD2] =	sst s25  }
0xa6: {  	s5 =	sshll.u32 s26, $0x1;
	_ =	strace $0x80000046;
	[dreg:$0x1] =	wrdreg $0xFFFFFFFF  }
0xa7: {  	s28 =	simm.s32 $_size_execute0_lowered;
	s3 =	sadd.s32 s3, s5;
	[dreg:$0x0] =	wrdreg $0x0  }
0xa8: {  	s5 =	sshll.u32 s28, $0x1;
	[dreg:$0x2] =	wrdreg s3  }
0xa9: {  	[dreg:$0x3] =	wrdreg s5  }
0xaa: {  	[dreg:$0x4] =	wrdreg $0xC0  }
0xab: {  	_ =	task [dreg:s7], $0x5FFFF  }
0xac: {  	[dreg:$0x1] =	wrdreg $0xFFFFFFFF  }
0xad: {  	[dreg:$0x0] =	wrdreg $0x60  }
0xae: {  	[dreg:$0x2] =	wrdreg s2  }
0xaf: {  	[dreg:$0x3] =	wrdreg s24  }
0xb0: {  	[dreg:$0x4] =	wrdreg $0x9  }
0xb1: {  	_ =	task.clear_ibuf [dreg:s7], $0x5FFFF;
	_ =	strace $0x90000046  }
0xb2: {  	s29 =	simm.s32 $0x9;
	_ =	strace $0x80000048  }
0xb3: {  	_ =	swait.ge [sflag:s29], $0x1  }
0xb4: {  	[sflag:s29] =	ssyncadd.s32 $0xFFFFFFFF  }
0xb5: {  	_ =	strace $0x90000048  }
0xb6: {  	_ =	sfence  }
0xb7: {  	s30 =	sld [smem:$0x0];
	_ =	sdelay $0x2  }
0xb8: {  	s31 =	sshll.u32 s1, $0xD;
	s1 =	sshrl.u32 s1, $0x2  }
0xb9: {  	s3 =	sand.u32 $0x4000, s31;
	s1 =	sadd.s32 s1, s30  }
0xba: {  	s0 =	sor.u32 s3, s0;
	s1 =	sshll.u32 s1, $0x11  }
0xbb: {  	s0 =	sor.u32 s1, s0  }
0xbc: {  	s0 =	sadd.s32 $0x8F2B, s0  }
0xbd: {  	[sflag:s0] =	ssyncadd.remote.s32 $0x1  }
0xbe: {  	_ =	sfence.sel $0xFFFF  }
0xbf: {  	[dreg:$0x0] =	wrdreg $0xFFFFFFFF;
	(pc) =	sbr.abs _section_cstart, $3  }
0xc0: {  	[dreg:$0x1] =	wrdreg $0xFFFFFFFF  }
0xc1: {  	_ =	task.clear_ibuf [dreg:s7], $0x2FFFF;
	_ =	strace $0x9FFFFFFF  }
0xc2: {  	(tm) =	ssettm $0x7FFFFFFF  }
0xc3: {  	_ =	shalt  }
tec
execute0_lowered:
.L_overlay_start_1:
0x0: {  	(tag) =	ssettag $0x1  }
0x1: {  	s2 =	rddreg [dreg:$0x0];
	s0 =	srdreg.scid  }
0x2: {  	s10 =	stileid.u32;
	s1 =	rddreg [dreg:$0x1];
	s3 =	simm.s32 $0x0  }
0x3: {  	s14 =	simm.s32 $0x9;
	s15 =	simm.s32 $0x80;
	s16 =	simm.s32 $0x1800  }
0x4: {  	s17 =	simm.s32 $0x3800;
	s19 =	simm.s32 $0x5800;
	s21 =	simm.s32 $0x7800  }
0x5: {  	s22 =	simm.s32 $0x1;
	s23 =	simm.s32 $0x5;
	s9 =	smul.u32 $0xC0000, s10  }
0x6: {  	s0 =	sand.u32 $0x1, s0;
	s4 =	sshll.u32 s10, $0x1;
	s10 =	smul.u32 $0x3000, s10  }
0x7: {  	s24 =	simm.s32 $0x2;
	s28 =	simm.s32 $0x7;
	s11 =	smul.u32 $0x1800, s0  }
0x8: {  	s4 =	sor.u32 s0, s4;
	s7 =	ssub.s32 $0x2, s0;
	s0 =	smul.u32 $0x60000, s0  }
0x9: {  	s29 =	simm.s32 $0x4;
	s30 =	simm.s32 $0x8;
	s5 =	smul.u32 $0x300, s4  }
0xa: {  	s31 =	simm.s32 $0x0;
	[smem:$0x7FF] =	sst s3;
	s6 =	smul.u32 $0x60000, s4  }
0xb: {  	_ =	strace $0x80000047;
	s8 =	smul.u32 $0xC000, s4;
	s25 =	sshrl.u32 s7, $0x1  }
0xc: {  	s7 =	ssub.s32 s7, s25;
	s10 =	sadd.s32 s11, s10;
	s0 =	sadd.s32 s0, s9  }
0xd: {  	s25 =	simm.s32 $0x6;
	s5 =	sadd.s32 s5, s1;
	s1 =	sadd.s32 $0x6200, s1  }
0xe: {  	s6 =	sshrl.u32 s6, $0x3;
	s10 =	sshll.u32 s10, $0x3;
	s0 =	sshrl.u32 s0, $0x3  }
0xf: {  	s26 =	sadd.s32 $0x200, s5;
	s5 =	smax.u32 s7, $0x1;
	s6 =	sadd.s32 s1, s6  }
0x10: {  	s12 =	sadd.s32 s1, s8;
	s13 =	sadd.s32 s10, s1;
	s10 =	sadd.s32 s0, s1  }
0x11: {  	[dreg:$0x3] =	wrdreg s26;
	s6 =	sadd.s32 $0xB000, s6;
	s7 =	sadd.s32 $0xB400, s12  }
0x12: {  	s8 =	sadd.s32 $0xB800, s12;
	s9 =	sadd.s32 $0xBC00, s12;
	s11 =	sadd.s32 $0xC00, s13  }
0x13: {  	s12 =	sadd.s32 $0x800, s13;
	s13 =	sadd.s32 $0x400, s13;
	s26 =	simm.s32 $0x3  }
.LBB2_1:
0x14: {  	s0 =	rddreg [dreg:$0x3]  }
0x15: {  	[tilespmem:s3], [sflag:$0x9] =	stream.linear.gather [hbm4b:s0+s3], $0x1800, $0x38;
	[tilespmem:$0x9800] =	vst v63  }
0x16: {  	_ =	swait.ge [sflag:s14], $0x1800  }
0x17: {  	[sflag:s14] =	ssyncset.done $0x0  }
0x18: {  	[sflag:s14] =	ssyncadd.s32 $0xFFFFE800  }
0x19: {  	[tilespmem:s16], [sflag:$0x1] =	stream.indirect.gather [hbm4b:s2+s15], $0x40, s3, s15, $0xb8;
	[tilespmem:$0x9800] =	vst v63  }
0x1a: {  	_ = 	snop  }
0x1b: {  	[tilespmem:s17], [sflag:$0x2] =	stream.indirect.gather [hbm4b:s2+s15], $0x40, s15, s15, $0xb8;
	[tilespmem:$0x9800] =	vst v63  }
0x1c: {  	s20 =	simm.s32 $0x100  }
0x1d: {  	[tilespmem:s19], [sflag:$0x3] =	stream.indirect.gather [hbm4b:s2+s15], $0x40, s20, s15, $0xb8;
	[tilespmem:$0x9800] =	vst v63  }
0x1e: {  	s1 =	simm.s32 $0x180  }
0x1f: {  	[tilespmem:s21], [sflag:$0x4] =	stream.indirect.gather [hbm4b:s2+s15], $0x40, s1, s15, $0xb8;
	[tilespmem:$0x9800] =	vst v63  }
0x20: {  	_ =	swait.ge [sflag:s22], $0x2000  }
0x21: {  	[sflag:s22] =	ssyncset.done $0x0  }
0x22: {  	s4 =	sadd.s32 $0x0, s10;
	[sflag:s22] =	ssyncadd.s32 $0xFFFFE000  }
0x23: {  	[hbm4b:s4+s3] =	stream.linear.scatter [tilespmem:s16], [sflag:$0x5], $0x2000, $0x38;
	[tilespmem:$0x9800] =	vst v63  }
0x24: {  	_ =	swait.ge [sflag:s23], $0x2000  }
0x25: {  	[sflag:s23] =	ssyncset.done $0x0  }
0x26: {  	s18 =	simm.s32 $0x200;
	[sflag:s23] =	ssyncadd.s32 $0xFFFFE000  }
0x27: {  	[tilespmem:s16], [sflag:$0x1] =	stream.indirect.gather [hbm4b:s2+s15], $0x40, s18, s15, $0xb8;
	[tilespmem:$0x9800] =	vst v63  }
0x28: {  	_ =	swait.ge [sflag:s24], $0x2000  }
0x29: {  	[sflag:s24] =	ssyncset.done $0x0  }
0x2a: {  	s20 =	sadd.s32 $0x0, s13;
	[sflag:s24] =	ssyncadd.s32 $0xFFFFE000  }
0x2b: {  	[hbm4b:s20+s3] =	stream.linear.scatter [tilespmem:s17], [sflag:$0x6], $0x2000, $0x38;
	[tilespmem:$0x9800] =	vst v63  }
0x2c: {  	_ =	swait.ge [sflag:s25], $0x2000  }
0x2d: {  	[sflag:s25] =	ssyncset.done $0x0  }
0x2e: {  	s1 =	simm.s32 $0x280;
	[sflag:s25] =	ssyncadd.s32 $0xFFFFE000  }
0x2f: {  	[tilespmem:s17], [sflag:$0x2] =	stream.indirect.gather [hbm4b:s2+s15], $0x40, s1, s15, $0xb8;
	[tilespmem:$0x9800] =	vst v63  }
0x30: {  	_ =	swait.ge [sflag:s26], $0x2000  }
0x31: {  	[sflag:s26] =	ssyncset.done $0x0  }
0x32: {  	s4 =	sadd.s32 $0x0, s12;
	[sflag:s26] =	ssyncadd.s32 $0xFFFFE000  }
0x33: {  	[hbm4b:s4+s3] =	stream.linear.scatter [tilespmem:s19], [sflag:$0x7], $0x2000, $0x38;
	[tilespmem:$0x9800] =	vst v63  }
0x34: {  	_ =	swait.ge [sflag:s28], $0x2000  }
0x35: {  	[sflag:s28] =	ssyncset.done $0x0  }
0x36: {  	s18 =	simm.s32 $0x300;
	[sflag:s28] =	ssyncadd.s32 $0xFFFFE000  }
0x37: {  	[tilespmem:s19], [sflag:$0x3] =	stream.indirect.gather [hbm4b:s2+s15], $0x40, s18, s15, $0xb8;
	[tilespmem:$0x9800] =	vst v63  }
0x38: {  	_ =	swait.ge [sflag:s29], $0x2000  }
0x39: {  	[sflag:s29] =	ssyncset.done $0x0  }
0x3a: {  	s20 =	sadd.s32 $0x0, s11;
	[sflag:s29] =	ssyncadd.s32 $0xFFFFE000  }
0x3b: {  	[hbm4b:s20+s3] =	stream.linear.scatter [tilespmem:s21], [sflag:$0x8], $0x2000, $0x38;
	[tilespmem:$0x9800] =	vst v63  }
0x3c: {  	_ =	swait.ge [sflag:s30], $0x2000  }
0x3d: {  	s0 =	simm.s32 $0x1000;
	[sflag:s30] =	ssyncset.done $0x0  }
0x3e: {  	s1 =	simm.s32 $0x380;
	s18 =	simm.s32 $0x580;
	[sflag:s30] =	ssyncadd.s32 $0xFFFFE000  }
.LBB2_2:
0x3f: {  	[tilespmem:s21], [sflag:$0x4] =	stream.indirect.gather [hbm4b:s2+s15], $0x40, s1, s15, $0xb8;
	[tilespmem:$0x9800] =	vst v63  }
0x40: {  	s20 =	smov.u32 s0;
	s1 =	smov.u32 s18  }
0x41: {  	p0 =	sne.s32 s0, $0xA000;
	s0 =	sadd.s32 $0x1000, s0;
	_ =	swait.ge [sflag:s22], $0x2000  }
0x42: {  	[sflag:s22] =	ssyncset.done $0x0  }
0x43: {  	s4 =	sadd.s32 s20, s10;
	[sflag:s22] =	ssyncadd.s32 $0xFFFFE000  }
0x44: {  	[hbm4b:s4+s3] =	stream.linear.scatter [tilespmem:s16], [sflag:$0x5], $0x2000, $0x38;
	[tilespmem:$0x9800] =	vst v63  }
0x45: {  	_ =	swait.ge [sflag:s23], $0x2000  }
0x46: {  	[sflag:s23] =	ssyncset.done $0x0  }
0x47: {  	s4 =	sadd.s32 $0xFFFFFE80, s18;
	[sflag:s23] =	ssyncadd.s32 $0xFFFFE000  }
0x48: {  	[tilespmem:s16], [sflag:$0x1] =	stream.indirect.gather [hbm4b:s2+s15], $0x40, s4, s15, $0xb8;
	[tilespmem:$0x9800] =	vst v63  }
0x49: {  	_ =	swait.ge [sflag:s24], $0x2000  }
0x4a: {  	[sflag:s24] =	ssyncset.done $0x0  }
0x4b: {  	s4 =	sadd.s32 s20, s13;
	[sflag:s24] =	ssyncadd.s32 $0xFFFFE000  }
0x4c: {  	[hbm4b:s4+s3] =	stream.linear.scatter [tilespmem:s17], [sflag:$0x6], $0x2000, $0x38;
	[tilespmem:$0x9800] =	vst v63  }
0x4d: {  	_ =	swait.ge [sflag:s25], $0x2000  }
0x4e: {  	[sflag:s25] =	ssyncset.done $0x0  }
0x4f: {  	s4 =	sadd.s32 $0xFFFFFF00, s18;
	[sflag:s25] =	ssyncadd.s32 $0xFFFFE000  }
0x50: {  	[tilespmem:s17], [sflag:$0x2] =	stream.indirect.gather [hbm4b:s2+s15], $0x40, s4, s15, $0xb8;
	[tilespmem:$0x9800] =	vst v63  }
0x51: {  	_ =	swait.ge [sflag:s26], $0x2000  }
0x52: {  	[sflag:s26] =	ssyncset.done $0x0  }
0x53: {  	s4 =	sadd.s32 s20, s12;
	[sflag:s26] =	ssyncadd.s32 $0xFFFFE000  }
0x54: {  	[hbm4b:s4+s3] =	stream.linear.scatter [tilespmem:s19], [sflag:$0x7], $0x2000, $0x38;
	[tilespmem:$0x9800] =	vst v63  }
0x55: {  	_ =	swait.ge [sflag:s28], $0x2000  }
0x56: {  	[sflag:s28] =	ssyncset.done $0x0  }
0x57: {  	s4 =	sadd.s32 $0xFFFFFF80, s18;
	[sflag:s28] =	ssyncadd.s32 $0xFFFFE000  }
0x58: {  	[tilespmem:s19], [sflag:$0x3] =	stream.indirect.gather [hbm4b:s2+s15], $0x40, s4, s15, $0xb8;
	[tilespmem:$0x9800] =	vst v63  }
0x59: {  	_ =	swait.ge [sflag:s29], $0x2000  }
0x5a: {  	[sflag:s29] =	ssyncset.done $0x0  }
.Ltmp0:
0x5b: {  	s4 =	sadd.s32 s20, s11;
	[sflag:s29] =	ssyncadd.s32 $0xFFFFE000;
	(pc) =	sbr.rel @p0 .LBB2_2-.Ltmp0, $4  }
0x5c: {  	[hbm4b:s4+s3] =	stream.linear.scatter [tilespmem:s21], [sflag:$0x8], $0x2000, $0x38;
	[tilespmem:$0x9800] =	vst v63  }
0x5d: {  	_ =	swait.ge [sflag:s30], $0x2000  }
0x5e: {  	[sflag:s30] =	ssyncset.done $0x0  }
0x5f: {  	s18 =	sadd.s32 $0x200, s18;
	[sflag:s30] =	ssyncadd.s32 $0xFFFFE000  }
0x60: {  	[tilespmem:s21], [sflag:$0x4] =	stream.indirect.gather [hbm4b:s2+s15], $0x40, s1, s15, $0xb8;
	[tilespmem:$0x9800] =	vst v63  }
0x61: {  	_ =	swait.ge [sflag:s22], $0x2000  }
0x62: {  	[sflag:s22] =	ssyncset.done $0x0  }
0x63: {  	[sflag:s22] =	ssyncadd.s32 $0xFFFFE000  }
0x64: {  	[hbm4b:s6+s3] =	stream.linear.scatter [tilespmem:s16], [sflag:$0x5], $0x2000, $0x38;
	[tilespmem:$0x9800] =	vst v63  }
0x65: {  	_ =	swait.ge [sflag:s24], $0x2000  }
0x66: {  	[sflag:s24] =	ssyncset.done $0x0  }
0x67: {  	[sflag:s24] =	ssyncadd.s32 $0xFFFFE000  }
0x68: {  	[hbm4b:s7+s3] =	stream.linear.scatter [tilespmem:s17], [sflag:$0x6], $0x2000, $0x38;
	[tilespmem:$0x9800] =	vst v63  }
0x69: {  	_ =	swait.ge [sflag:s26], $0x2000  }
0x6a: {  	[sflag:s26] =	ssyncset.done $0x0  }
0x6b: {  	[sflag:s26] =	ssyncadd.s32 $0xFFFFE000  }
0x6c: {  	[hbm4b:s8+s3] =	stream.linear.scatter [tilespmem:s19], [sflag:$0x7], $0x2000, $0x38;
	[tilespmem:$0x9800] =	vst v63  }
0x6d: {  	_ =	swait.ge [sflag:s29], $0x2000  }
0x6e: {  	[sflag:s29] =	ssyncset.done $0x0  }
0x6f: {  	[sflag:s29] =	ssyncadd.s32 $0xFFFFE000  }
0x70: {  	[hbm4b:s9+s3] =	stream.linear.scatter [tilespmem:s21], [sflag:$0x8], $0x2000, $0x38;
	[tilespmem:$0x9800] =	vst v63  }
0x71: {  	_ =	swait.ge [sflag:s23], $0x2000  }
0x72: {  	[sflag:s23] =	ssyncset.done $0x0  }
0x73: {  	[sflag:s23] =	ssyncadd.s32 $0xFFFFE000  }
0x74: {  	_ =	swait.ge [sflag:s25], $0x2000  }
0x75: {  	[sflag:s25] =	ssyncset.done $0x0  }
0x76: {  	s31 =	sadd.s32 $0x1, s31;
	[sflag:s25] =	ssyncadd.s32 $0xFFFFE000  }
0x77: {  	p0 =	sne.s32 s31, s5;
	_ =	swait.ge [sflag:s28], $0x2000  }
.Ltmp1:
0x78: {  	[sflag:s28] =	ssyncset.done $0x0;
	(pc) =	sbr.rel @p0 .LBB2_1-.Ltmp1, $4  }
0x79: {  	[sflag:s28] =	ssyncadd.s32 $0xFFFFE000  }
0x7a: {  	_ =	swait.ge [sflag:s30], $0x2000  }
0x7b: {  	[sflag:s30] =	ssyncset.done $0x0  }
0x7c: {  	[sflag:s30] =	ssyncadd.s32 $0xFFFFE000  }
0x7d: {  	_ =	sfence.sel $0x180000  }
0x7e: {  	[bflag:$0x0] =	sbarrier.arrive $0xFFFF  }
0x7f: {  	_ =	strace $0x90000047  }
0x80: {  	s0 =	stileid.u32;
	[bflag:$0x2] =	sbarrier.arrive $0xFFFF  }
0x81: {  	p0 =	sne.s32 s0, $0x0;
	s0 =	rddreg [dreg:$0x2]  }
0x82: {  	s0 =	sadd.s32 @!p0 $0x100000, s0  }
0x83: {  	[sflag:s0] =	ssyncadd.tile.s32 @!p0 $0x1;
	_ =	shalt  }
.Lfunc_end2:
_tile_overlayer_lowered:
.L_overlay_start_2:
0x84: {  	(tag) =	ssettag $0x2  }
0x85: {  	s0 =	rddreg [dreg:$0x0];
	s2 =	stileid.u32  }
0x86: {  	s1 =	rddreg [dreg:$0x1];
	p0 =	sne.s32 s2, $0x0  }
0x87: {  	s3 =	rddreg [dreg:$0x2];
	[bflag:$0x3] =	sbarrier.arrive $0xFFFF;
	s2 =	simm.s32 @!p0 $0x1C09  }
0x88: {  	[timem:s3], [sflag:s2] =	dma.local @!p0 [hbm:s0], s1  }
0x89: {  	s0 =	simm.s32 @!p0 $0x9  }
0x8a: {  	_ =	swait.ge @!p0 [sflag:s0], s1  }
0x8b: {  	s1 =	ssub.s32 @!p0 $0x0, s1;
	[sflag:s0] =	ssyncset.done @!p0 $0x0  }
0x8c: {  	[sflag:s0] =	ssyncadd.s32 @!p0 s1  }
0x8d: {  	[bflag:$0x3] =	sbarrier.arrive $0xFFFF  }
0x8e: {  	_ =	shalt  }

</sc_bundles>
